<compile_context>
chip_gen: v7x
topology: tpu7x:2x2x1
jax: 0.10.2.dev20260603
libtpu: 0.0.44.dev20260713+nightly
codegen_flags: <defaults>
</compile_context>

<pallas_src>
import functools

import jax
import jax.numpy as jnp
from jax import lax
from jax.experimental import pallas as pl
from jax.experimental.pallas import tpu as pltpu
from jax.experimental.pallas import tpu_sc as plsc

_NC = 2
_NS = 16
_NW = _NC * _NS
_WIN = 200
_FETCH = 208
_AUX = 512
_NBUF = 4
_LAG = 1
_GRP = 16


def _sc_window_gather(idx32, shift16, data, aux):
    B = idx32.shape[0]
    C, D = data.shape
    per_w = B // _NW

    mesh = plsc.VectorSubcoreMesh(
        core_axis_name="c", subcore_axis_name="s",
        num_cores=_NC, num_subcores=_NS)

    @functools.partial(
        pl.kernel,
        out_type=jax.ShapeDtypeStruct((B * _WIN, D), jnp.float32),
        mesh=mesh,
        scratch_types=[
            pltpu.VMEM((per_w,), jnp.int32),
            pltpu.VMEM((16,), jnp.int32),
            pltpu.SMEM((_NBUF,), jnp.int32),
            [pltpu.VMEM((_FETCH, D), jnp.float32) for _ in range(_NBUF)],
            [pltpu.SemaphoreType.DMA for _ in range(2 * _NBUF)],
        ],
    )
    def run(idx_hbm, shift_hbm, tab_hbm, aux_hbm, out_hbm, idx_v, shift_v,
            r0_s, bufs, sems):
        wid = lax.axis_index("c") * _NS + lax.axis_index("s")
        base = wid * per_w
        pltpu.sync_copy(idx_hbm.at[pl.ds(base, per_w)], idx_v)
        pltpu.sync_copy(shift_hbm, shift_v)
        shift = shift_v[pl.ds(0, 16)][0]

        def wait_in(j):
            pltpu.make_async_copy(
                tab_hbm.at[pl.ds(0, _FETCH)], bufs[j], sems[j]).wait()

        def start_out(f, j):
            pltpu.make_async_copy(
                bufs[j].at[pl.ds(r0_s[j], _WIN)],
                out_hbm.at[pl.ds((base + f) * _WIN, _WIN)],
                sems[_NBUF + j]).start()

        def wait_out(j):
            pltpu.make_async_copy(
                bufs[j].at[pl.ds(0, _WIN)], out_hbm.at[pl.ds(0, _WIN)],
                sems[_NBUF + j]).wait()

        def group_body(g, carry):
            v16 = idx_v[pl.ds(g * _GRP, _GRP)]
            for l in range(_GRP):
                e = g * _GRP + l
                j = l % _NBUF

                if l >= _NBUF:
                    wait_out(j)
                else:

                    @pl.when(g > 0)
                    def _():
                        wait_out(j)

                s = v16[l] + shift
                s = jnp.where(s >= C, s - C, s)
                r0 = jnp.bitwise_and(s, 7)
                r0_s[j] = r0
                a = s - r0
                near_end = s > C - _FETCH

                @pl.when(near_end)
                def _():
                    pltpu.make_async_copy(
                        aux_hbm.at[pl.ds(
                            pl.multiple_of(a - (C - _AUX // 2), 8), _FETCH)],
                        bufs[j], sems[j]).start()

                @pl.when(jnp.logical_not(near_end))
                def _():
                    pltpu.make_async_copy(
                        tab_hbm.at[pl.ds(pl.multiple_of(a, 8), _FETCH)],
                        bufs[j], sems[j]).start()

                f = e - _LAG
                fj = (l - _LAG) % _NBUF
                if l >= _LAG:
                    wait_in(fj)
                    start_out(f, fj)
                else:

                    @pl.when(g > 0)
                    def _():
                        wait_in(fj)
                        start_out(f, fj)
            return carry

        lax.fori_loop(0, per_w // _GRP, group_body, jnp.int32(0))

        for r in range(_LAG):
            f = per_w - _LAG + r
            fj = f % _NBUF
            wait_in(fj)
            start_out(jnp.int32(f), fj)
        for j in range(_NBUF):
            wait_out(j)

    return run(idx32, shift16, data, aux)


def kernel(index, length, data):
    C, D = data.shape
    B = index.shape[0]
    idx32 = index.astype(jnp.int32)
    shift = jnp.mod(jnp.asarray(length, jnp.int32) - _WIN, C)
    shift16 = jnp.full((16,), shift, jnp.int32)
    aux = jnp.concatenate([data[C - _AUX // 2:], data[:_AUX // 2]], axis=0)
    out = _sc_window_gather(idx32, shift16, data, aux)
    return out.reshape(B, _WIN, D)

# --- scband reference (transcript-rebuilt; emitter-appended) ---
"""Pipeline reference for scband-recurrent-cycle-40707700032425 (READ-ONLY COPY).

The authoritative reference and input builder live on the scoring server;
editing this copy changes nothing except your own understanding.
"""

import jax, jax.numpy as jnp
import numpy as np

CYCLE_LEN = 100000
CHANNEL_SIZE = 64
BATCH = 4096
LENGTH = 200

def setup_inputs(seed: int = 0) -> dict:
    key = jax.random.key(seed)
    k_idx, k_data = jax.random.split(key)
    index = jax.random.randint(k_idx, (BATCH,), 0, CYCLE_LEN, dtype=jnp.int64 if jax.config.jax_enable_x64 else jnp.int32)
    data = jax.random.normal(k_data, (CYCLE_LEN, CHANNEL_SIZE), dtype=jnp.float32)
    return {"index": index, "length": LENGTH, "data": data}

def reference(index, length, data):
    # gather_index = (index.view(-1,1) + arange(length)) % cycle_len
    offsets = jnp.arange(LENGTH, dtype=index.dtype) + jnp.asarray(length - LENGTH).astype(index.dtype)
    gather_index = (index.reshape(-1, 1) + offsets.reshape(1, -1)) % data.shape[0]
    # data[gather_index] -> [B, length, channel_size]
    return jnp.take(data, gather_index, axis=0)

if __name__ == "__main__":
    import jax
    _d = setup_inputs()
    print(jax.jit(kernel)(*tuple(_d.values())))

</pallas_src>

<mosaic_0001>
#map = affine_map<(d0, d1) -> (0)>
#map1 = affine_map<(d0, d1) -> (0, 0)>
module attributes {stable_mosaic.version = 14 : i64} {
  func.func @run(%arg0: i32, %arg1: i32, %arg2: memref<4096xi32, #tpu.memory_space<hbm>>, %arg3: memref<16xi32, #tpu.memory_space<hbm>>, %arg4: memref<100000x64xf32, #tpu.memory_space<hbm>>, %arg5: memref<512x64xf32, #tpu.memory_space<hbm>>, %arg6: memref<819200x64xf32, #tpu.memory_space<hbm>>, %arg7: memref<128xi32, #tpu.memory_space<vmem>>, %arg8: memref<16xi32, #tpu.memory_space<vmem>>, %arg9: memref<4xi32, #tpu.memory_space<smem>>, %arg10: memref<208x64xf32, #tpu.memory_space<vmem>>, %arg11: memref<208x64xf32, #tpu.memory_space<vmem>>, %arg12: memref<208x64xf32, #tpu.memory_space<vmem>>, %arg13: memref<208x64xf32, #tpu.memory_space<vmem>>, %arg14: memref<!tpu.dma_semaphore, #tpu.memory_space<semaphore_mem>>, %arg15: memref<!tpu.dma_semaphore, #tpu.memory_space<semaphore_mem>>, %arg16: memref<!tpu.dma_semaphore, #tpu.memory_space<semaphore_mem>>, %arg17: memref<!tpu.dma_semaphore, #tpu.memory_space<semaphore_mem>>, %arg18: memref<!tpu.dma_semaphore, #tpu.memory_space<semaphore_mem>>, %arg19: memref<!tpu.dma_semaphore, #tpu.memory_space<semaphore_mem>>, %arg20: memref<!tpu.dma_semaphore, #tpu.memory_space<semaphore_mem>>, %arg21: memref<!tpu.dma_semaphore, #tpu.memory_space<semaphore_mem>>) attributes {dimension_semantics = [#tpu.dimension_semantics<core_parallel>, #tpu.dimension_semantics<subcore_parallel>], iteration_bounds = array<i64: 2, 16>, scalar_prefetch = 0 : i64, scratch_operands = 15 : i64, tpu.core_type = #tpu.core_type<sc_vector_subcore>, window_params = [{transform_indices = #map}, {transform_indices = #map}, {transform_indices = #map1}, {transform_indices = #map1}, {transform_indices = #map1}]} {
    %mul3A = arith.constant 16 : i32
    %mul3A_0 = arith.muli %arg0, %mul3A : i32
    %add3A = arith.addi %mul3A_0, %arg1 : i32
    %mul3A_1 = arith.constant 128 : i32
    %mul3A_2 = arith.muli %add3A, %mul3A_1 : i32
    "tpu.region"() ({
      %run_scoped3A = tpu.sem_alloc : memref<!tpu.dma_semaphore, #tpu.memory_space<semaphore_mem>>
      %dma_start3A_77 = tpu.memref_slice %arg2[%mul3A_2] : memref<4096xi32, #tpu.memory_space<hbm>> -> memref<128xi32, #tpu.memory_space<hbm>>
      %dma_start3A_78 = tpu.memref_slice %arg2[%mul3A_2] : memref<4096xi32, #tpu.memory_space<hbm>> -> memref<128xi32, #tpu.memory_space<hbm>>
      tpu.enqueue_dma source(%dma_start3A_78 : memref<128xi32, #tpu.memory_space<hbm>>) target(%arg7 : memref<128xi32, #tpu.memory_space<vmem>>) target_semaphore(%run_scoped3A : memref<!tpu.dma_semaphore, #tpu.memory_space<semaphore_mem>>)
      %dma_wait3A_79 = tpu.memref_slice %arg2[%mul3A_2] : memref<4096xi32, #tpu.memory_space<hbm>> -> memref<128xi32, #tpu.memory_space<hbm>>
      %dma_wait3A_80 = tpu.memref_slice %arg2[%mul3A_2] : memref<4096xi32, #tpu.memory_space<hbm>> -> memref<128xi32, #tpu.memory_space<hbm>>
      tpu.wait_dma2 semaphore(%run_scoped3A : memref<!tpu.dma_semaphore, #tpu.memory_space<semaphore_mem>>) src(%dma_wait3A_80 : memref<128xi32, #tpu.memory_space<hbm>>) dst(%arg7 : memref<128xi32, #tpu.memory_space<vmem>>)
      tpu.yield
    }) : () -> ()
    "tpu.region"() ({
      %run_scoped3A = tpu.sem_alloc : memref<!tpu.dma_semaphore, #tpu.memory_space<semaphore_mem>>
      tpu.enqueue_dma source(%arg3 : memref<16xi32, #tpu.memory_space<hbm>>) target(%arg8 : memref<16xi32, #tpu.memory_space<vmem>>) target_semaphore(%run_scoped3A : memref<!tpu.dma_semaphore, #tpu.memory_space<semaphore_mem>>)
      tpu.wait_dma2 semaphore(%run_scoped3A : memref<!tpu.dma_semaphore, #tpu.memory_space<semaphore_mem>>) src(%arg3 : memref<16xi32, #tpu.memory_space<hbm>>) dst(%arg8 : memref<16xi32, #tpu.memory_space<vmem>>)
      tpu.yield
    }) : () -> ()
    %get3A = arith.constant 0 : index
    %get3A_3 = tpu.vector_load %arg8[%get3A] {strides = array<i32>} : memref<16xi32, #tpu.memory_space<vmem>>, vector<16xi32>,
    %get3A_4 = vector.shape_cast %get3A_3 : vector<16xi32> to vector<16xi32>
    %slice3A = vector.extract_strided_slice %get3A_4 {offsets = [0], sizes = [1], strides = [1]} : vector<16xi32> to vector<1xi32>
    %squeeze3A = vector.extract %slice3A[0] : i32 from vector<1xi32>
    %scan3A = arith.constant 0 : i32
    %scan3A_5 = arith.constant 0 : i32
    %scan3A_6 = arith.constant 8 : i32
    %scan3A_7 = arith.addi %scan3A_5, %scan3A_6 : i32
    %scan3A_8 = arith.constant 1 : i32
    scf.for %scan3A_77 = %scan3A_5 to %scan3A_7 step %scan3A_8  : i32 {
      %mul3A_78 = arith.constant 16 : i32
      %mul3A_79 = arith.muli %scan3A_77, %mul3A_78 : i32
      %get3A_80 = arith.index_cast %mul3A_79 : i32 to index
      %get3A_81 = tpu.vector_load %arg7[%get3A_80] {strides = array<i32>} : memref<128xi32, #tpu.memory_space<vmem>>, vector<16xi32>,
      %get3A_82 = vector.shape_cast %get3A_81 : vector<16xi32> to vector<16xi32>
      %mul3A_83 = arith.constant 16 : i32
      %mul3A_84 = arith.muli %scan3A_77, %mul3A_83 : i32
      %add3A_85 = arith.constant 0 : i32
      %add3A_86 = arith.addi %mul3A_84, %add3A_85 : i32
      %gt3A = arith.constant 0 : i32
      %gt3A_87 = arith.cmpi sgt, %scan3A_77, %gt3A : i32
      %convert_element_type3A = arith.extui %gt3A_87 : i1 to i32
      %cond3A = arith.constant 0 : i32
      %cond3A_88 = arith.cmpi ne, %convert_element_type3A, %cond3A : i32
      scf.if %cond3A_88 {
        %dma_wait3A_1023 = arith.constant 0 : i32
        %dma_wait3A_1024 = arith.constant 0 : i32
        %dma_wait3A_1025 = tpu.memref_slice %arg10[%dma_wait3A_1023, %dma_wait3A_1024] : memref<208x64xf32, #tpu.memory_space<vmem>> -> memref<200x64xf32, #tpu.memory_space<vmem>>
        %dma_wait3A_1026 = arith.constant 0 : i32
        %dma_wait3A_1027 = arith.constant 0 : i32
        %dma_wait3A_1028 = tpu.memref_slice %arg6[%dma_wait3A_1026, %dma_wait3A_1027] : memref<819200x64xf32, #tpu.memory_space<hbm>> -> memref<200x64xf32, #tpu.memory_space<hbm>>
        %dma_wait3A_1029 = arith.constant 0 : i32
        %dma_wait3A_1030 = arith.constant 0 : i32
        %dma_wait3A_1031 = tpu.memref_slice %arg6[%dma_wait3A_1029, %dma_wait3A_1030] : memref<819200x64xf32, #tpu.memory_space<hbm>> -> memref<200x64xf32, #tpu.memory_space<hbm>>
        %dma_wait3A_1032 = arith.constant 0 : i32
        %dma_wait3A_1033 = arith.constant 0 : i32
        %dma_wait3A_1034 = tpu.memref_slice %arg10[%dma_wait3A_1032, %dma_wait3A_1033] : memref<208x64xf32, #tpu.memory_space<vmem>> -> memref<200x64xf32, #tpu.memory_space<vmem>>
        tpu.wait_dma2 semaphore(%arg18 : memref<!tpu.dma_semaphore, #tpu.memory_space<semaphore_mem>>) src(%dma_wait3A_1034 : memref<200x64xf32, #tpu.memory_space<vmem>>) dst(%dma_wait3A_1031 : memref<200x64xf32, #tpu.memory_space<hbm>>)
      } else {
      }
      %slice3A_89 = vector.extract_strided_slice %get3A_82 {offsets = [0], sizes = [1], strides = [1]} : vector<16xi32> to vector<1xi32>
      %squeeze3A_90 = vector.extract %slice3A_89[0] : i32 from vector<1xi32>
      %add3A_91 = arith.addi %squeeze3A_90, %squeeze3A : i32
      %ge3A = arith.constant 100000 : i32
      %ge3A_92 = arith.cmpi sge, %add3A_91, %ge3A : i32
      %sub3A = arith.constant 100000 : i32
      %sub3A_93 = arith.subi %add3A_91, %sub3A : i32
      %select_n3A = arith.select %ge3A_92, %sub3A_93, %add3A_91 : i32
      %and3A = arith.constant 7 : i32
      %and3A_94 = arith.andi %select_n3A, %and3A : i32
      %swap3A = arith.constant 0 : i32
      %swap3A_95 = arith.index_cast %swap3A : i32 to index
      %swap3A_96 = memref.load %arg9[%swap3A_95] : memref<4xi32, #tpu.memory_space<smem>>
      memref.store %and3A_94, %arg9[%swap3A_95] : memref<4xi32, #tpu.memory_space<smem>>
      %sub3A_97 = arith.subi %select_n3A, %and3A_94 : i32
      %gt3A_98 = arith.constant 99792 : i32
      %gt3A_99 = arith.cmpi sgt, %select_n3A, %gt3A_98 : i32
      %convert_element_type3A_100 = arith.extui %gt3A_99 : i1 to i32
      %cond3A_101 = arith.constant 0 : i32
      %cond3A_102 = arith.cmpi ne, %convert_element_type3A_100, %cond3A_101 : i32
      scf.if %cond3A_102 {
        %sub3A_1023 = arith.constant 99744 : i32
        %sub3A_1024 = arith.subi %sub3A_97, %sub3A_1023 : i32
        %multiple_of3A = tpu.assume_multiple %sub3A_1024, 8 : i32
        %dma_start3A_1025 = arith.constant 0 : i32
        %dma_start3A_1026 = tpu.memref_slice %arg5[%multiple_of3A, %dma_start3A_1025] : memref<512x64xf32, #tpu.memory_space<hbm>> -> memref<208x64xf32, #tpu.memory_space<hbm>>
        %dma_start3A_1027 = arith.constant 0 : i32
        %dma_start3A_1028 = tpu.memref_slice %arg5[%multiple_of3A, %dma_start3A_1027] : memref<512x64xf32, #tpu.memory_space<hbm>> -> memref<208x64xf32, #tpu.memory_space<hbm>>
        tpu.enqueue_dma source(%dma_start3A_1028 : memref<208x64xf32, #tpu.memory_space<hbm>>) target(%arg10 : memref<208x64xf32, #tpu.memory_space<vmem>>) target_semaphore(%arg14 : memref<!tpu.dma_semaphore, #tpu.memory_space<semaphore_mem>>)
      } else {
      }
      %not3A = arith.constant true
      %not3A_103 = arith.xori %gt3A_99, %not3A : i1
      %convert_element_type3A_104 = arith.extui %not3A_103 : i1 to i32
      %cond3A_105 = arith.constant 0 : i32
      %cond3A_106 = arith.cmpi ne, %convert_element_type3A_104, %cond3A_105 : i32
      scf.if %cond3A_106 {
        %multiple_of3A = tpu.assume_multiple %sub3A_97, 8 : i32
        %dma_start3A_1023 = arith.constant 0 : i32
        %dma_start3A_1024 = tpu.memref_slice %arg4[%multiple_of3A, %dma_start3A_1023] : memref<100000x64xf32, #tpu.memory_space<hbm>> -> memref<208x64xf32, #tpu.memory_space<hbm>>
        %dma_start3A_1025 = arith.constant 0 : i32
        %dma_start3A_1026 = tpu.memref_slice %arg4[%multiple_of3A, %dma_start3A_1025] : memref<100000x64xf32, #tpu.memory_space<hbm>> -> memref<208x64xf32, #tpu.memory_space<hbm>>
        tpu.enqueue_dma source(%dma_start3A_1026 : memref<208x64xf32, #tpu.memory_space<hbm>>) target(%arg10 : memref<208x64xf32, #tpu.memory_space<vmem>>) target_semaphore(%arg14 : memref<!tpu.dma_semaphore, #tpu.memory_space<semaphore_mem>>)
      } else {
      }
      %sub3A_107 = arith.constant 1 : i32
      %sub3A_108 = arith.subi %add3A_86, %sub3A_107 : i32
      %gt3A_109 = arith.constant 0 : i32
      %gt3A_110 = arith.cmpi sgt, %scan3A_77, %gt3A_109 : i32
      %convert_element_type3A_111 = arith.extui %gt3A_110 : i1 to i32
      %cond3A_112 = arith.constant 0 : i32
      %cond3A_113 = arith.cmpi ne, %convert_element_type3A_111, %cond3A_112 : i32
      scf.if %cond3A_113 {
        %dma_wait3A_1023 = arith.constant 0 : i32
        %dma_wait3A_1024 = arith.constant 0 : i32
        %dma_wait3A_1025 = tpu.memref_slice %arg4[%dma_wait3A_1023, %dma_wait3A_1024] : memref<100000x64xf32, #tpu.memory_space<hbm>> -> memref<208x64xf32, #tpu.memory_space<hbm>>
        %dma_wait3A_1026 = arith.constant 0 : i32
        %dma_wait3A_1027 = arith.constant 0 : i32
        %dma_wait3A_1028 = tpu.memref_slice %arg4[%dma_wait3A_1026, %dma_wait3A_1027] : memref<100000x64xf32, #tpu.memory_space<hbm>> -> memref<208x64xf32, #tpu.memory_space<hbm>>
        tpu.wait_dma2 semaphore(%arg17 : memref<!tpu.dma_semaphore, #tpu.memory_space<semaphore_mem>>) src(%dma_wait3A_1028 : memref<208x64xf32, #tpu.memory_space<hbm>>) dst(%arg13 : memref<208x64xf32, #tpu.memory_space<vmem>>)
        %get3A_1029 = arith.constant 3 : i32
        %get3A_1030 = arith.index_cast %get3A_1029 : i32 to index
        %get3A_1031 = memref.load %arg9[%get3A_1030] : memref<4xi32, #tpu.memory_space<smem>>
        %add3A_1032 = arith.addi %mul3A_2, %sub3A_108 : i32
        %mul3A_1033 = arith.constant 200 : i32
        %mul3A_1034 = arith.muli %add3A_1032, %mul3A_1033 : i32
        %dma_start3A_1035 = arith.constant 0 : i32
        %dma_start3A_1036 = tpu.memref_slice %arg13[%get3A_1031, %dma_start3A_1035] : memref<208x64xf32, #tpu.memory_space<vmem>> -> memref<200x64xf32, #tpu.memory_space<vmem>>
        %dma_start3A_1037 = arith.constant 0 : i32
        %dma_start3A_1038 = tpu.memref_slice %arg6[%mul3A_1034, %dma_start3A_1037] : memref<819200x64xf32, #tpu.memory_space<hbm>> -> memref<200x64xf32, #tpu.memory_space<hbm>>
        %dma_start3A_1039 = arith.constant 0 : i32
        %dma_start3A_1040 = tpu.memref_slice %arg6[%mul3A_1034, %dma_start3A_1039] : memref<819200x64xf32, #tpu.memory_space<hbm>> -> memref<200x64xf32, #tpu.memory_space<hbm>>
        %dma_start3A_1041 = arith.constant 0 : i32
        %dma_start3A_1042 = tpu.memref_slice %arg13[%get3A_1031, %dma_start3A_1041] : memref<208x64xf32, #tpu.memory_space<vmem>> -> memref<200x64xf32, #tpu.memory_space<vmem>>
        tpu.enqueue_dma source(%dma_start3A_1042 : memref<200x64xf32, #tpu.memory_space<vmem>>) target(%dma_start3A_1040 : memref<200x64xf32, #tpu.memory_space<hbm>>) target_semaphore(%arg21 : memref<!tpu.dma_semaphore, #tpu.memory_space<semaphore_mem>>)
      } else {
      }
      %mul3A_114 = arith.constant 16 : i32
      %mul3A_115 = arith.muli %scan3A_77, %mul3A_114 : i32
      %add3A_116 = arith.constant 1 : i32
      %add3A_117 = arith.addi %mul3A_115, %add3A_116 : i32
      %gt3A_118 = arith.constant 0 : i32
      %gt3A_119 = arith.cmpi sgt, %scan3A_77, %gt3A_118 : i32
      %convert_element_type3A_120 = arith.extui %gt3A_119 : i1 to i32
      %cond3A_121 = arith.constant 0 : i32
      %cond3A_122 = arith.cmpi ne, %convert_element_type3A_120, %cond3A_121 : i32
      scf.if %cond3A_122 {
        %dma_wait3A_1023 = arith.constant 0 : i32
        %dma_wait3A_1024 = arith.constant 0 : i32
        %dma_wait3A_1025 = tpu.memref_slice %arg11[%dma_wait3A_1023, %dma_wait3A_1024] : memref<208x64xf32, #tpu.memory_space<vmem>> -> memref<200x64xf32, #tpu.memory_space<vmem>>
        %dma_wait3A_1026 = arith.constant 0 : i32
        %dma_wait3A_1027 = arith.constant 0 : i32
        %dma_wait3A_1028 = tpu.memref_slice %arg6[%dma_wait3A_1026, %dma_wait3A_1027] : memref<819200x64xf32, #tpu.memory_space<hbm>> -> memref<200x64xf32, #tpu.memory_space<hbm>>
        %dma_wait3A_1029 = arith.constant 0 : i32
        %dma_wait3A_1030 = arith.constant 0 : i32
        %dma_wait3A_1031 = tpu.memref_slice %arg6[%dma_wait3A_1029, %dma_wait3A_1030] : memref<819200x64xf32, #tpu.memory_space<hbm>> -> memref<200x64xf32, #tpu.memory_space<hbm>>
        %dma_wait3A_1032 = arith.constant 0 : i32
        %dma_wait3A_1033 = arith.constant 0 : i32
        %dma_wait3A_1034 = tpu.memref_slice %arg11[%dma_wait3A_1032, %dma_wait3A_1033] : memref<208x64xf32, #tpu.memory_space<vmem>> -> memref<200x64xf32, #tpu.memory_space<vmem>>
        tpu.wait_dma2 semaphore(%arg19 : memref<!tpu.dma_semaphore, #tpu.memory_space<semaphore_mem>>) src(%dma_wait3A_1034 : memref<200x64xf32, #tpu.memory_space<vmem>>) dst(%dma_wait3A_1031 : memref<200x64xf32, #tpu.memory_space<hbm>>)
      } else {
      }
      %slice3A_123 = vector.extract_strided_slice %get3A_82 {offsets = [1], sizes = [1], strides = [1]} : vector<16xi32> to vector<1xi32>
      %squeeze3A_124 = vector.extract %slice3A_123[0] : i32 from vector<1xi32>
      %add3A_125 = arith.addi %squeeze3A_124, %squeeze3A : i32
      %ge3A_126 = arith.constant 100000 : i32
      %ge3A_127 = arith.cmpi sge, %add3A_125, %ge3A_126 : i32
      %sub3A_128 = arith.constant 100000 : i32
      %sub3A_129 = arith.subi %add3A_125, %sub3A_128 : i32
      %select_n3A_130 = arith.select %ge3A_127, %sub3A_129, %add3A_125 : i32
      %and3A_131 = arith.constant 7 : i32
      %and3A_132 = arith.andi %select_n3A_130, %and3A_131 : i32
      %swap3A_133 = arith.constant 1 : i32
      %swap3A_134 = arith.index_cast %swap3A_133 : i32 to index
      %swap3A_135 = memref.load %arg9[%swap3A_134] : memref<4xi32, #tpu.memory_space<smem>>
      memref.store %and3A_132, %arg9[%swap3A_134] : memref<4xi32, #tpu.memory_space<smem>>
      %sub3A_136 = arith.subi %select_n3A_130, %and3A_132 : i32
      %gt3A_137 = arith.constant 99792 : i32
      %gt3A_138 = arith.cmpi sgt, %select_n3A_130, %gt3A_137 : i32
      %convert_element_type3A_139 = arith.extui %gt3A_138 : i1 to i32
      %cond3A_140 = arith.constant 0 : i32
      %cond3A_141 = arith.cmpi ne, %convert_element_type3A_139, %cond3A_140 : i32
      scf.if %cond3A_141 {
        %sub3A_1023 = arith.constant 99744 : i32
        %sub3A_1024 = arith.subi %sub3A_136, %sub3A_1023 : i32
        %multiple_of3A = tpu.assume_multiple %sub3A_1024, 8 : i32
        %dma_start3A_1025 = arith.constant 0 : i32
        %dma_start3A_1026 = tpu.memref_slice %arg5[%multiple_of3A, %dma_start3A_1025] : memref<512x64xf32, #tpu.memory_space<hbm>> -> memref<208x64xf32, #tpu.memory_space<hbm>>
        %dma_start3A_1027 = arith.constant 0 : i32
        %dma_start3A_1028 = tpu.memref_slice %arg5[%multiple_of3A, %dma_start3A_1027] : memref<512x64xf32, #tpu.memory_space<hbm>> -> memref<208x64xf32, #tpu.memory_space<hbm>>
        tpu.enqueue_dma source(%dma_start3A_1028 : memref<208x64xf32, #tpu.memory_space<hbm>>) target(%arg11 : memref<208x64xf32, #tpu.memory_space<vmem>>) target_semaphore(%arg15 : memref<!tpu.dma_semaphore, #tpu.memory_space<semaphore_mem>>)
      } else {
      }
      %not3A_142 = arith.constant true
      %not3A_143 = arith.xori %gt3A_138, %not3A_142 : i1
      %convert_element_type3A_144 = arith.extui %not3A_143 : i1 to i32
      %cond3A_145 = arith.constant 0 : i32
      %cond3A_146 = arith.cmpi ne, %convert_element_type3A_144, %cond3A_145 : i32
      scf.if %cond3A_146 {
        %multiple_of3A = tpu.assume_multiple %sub3A_136, 8 : i32
        %dma_start3A_1023 = arith.constant 0 : i32
        %dma_start3A_1024 = tpu.memref_slice %arg4[%multiple_of3A, %dma_start3A_1023] : memref<100000x64xf32, #tpu.memory_space<hbm>> -> memref<208x64xf32, #tpu.memory_space<hbm>>
        %dma_start3A_1025 = arith.constant 0 : i32
        %dma_start3A_1026 = tpu.memref_slice %arg4[%multiple_of3A, %dma_start3A_1025] : memref<100000x64xf32, #tpu.memory_space<hbm>> -> memref<208x64xf32, #tpu.memory_space<hbm>>
        tpu.enqueue_dma source(%dma_start3A_1026 : memref<208x64xf32, #tpu.memory_space<hbm>>) target(%arg11 : memref<208x64xf32, #tpu.memory_space<vmem>>) target_semaphore(%arg15 : memref<!tpu.dma_semaphore, #tpu.memory_space<semaphore_mem>>)
      } else {
      }
      %sub3A_147 = arith.constant 1 : i32
      %sub3A_148 = arith.subi %add3A_117, %sub3A_147 : i32
      %dma_wait3A_149 = arith.constant 0 : i32
      %dma_wait3A_150 = arith.constant 0 : i32
      %dma_wait3A_151 = tpu.memref_slice %arg4[%dma_wait3A_149, %dma_wait3A_150] : memref<100000x64xf32, #tpu.memory_space<hbm>> -> memref<208x64xf32, #tpu.memory_space<hbm>>
      %dma_wait3A_152 = arith.constant 0 : i32
      %dma_wait3A_153 = arith.constant 0 : i32
      %dma_wait3A_154 = tpu.memref_slice %arg4[%dma_wait3A_152, %dma_wait3A_153] : memref<100000x64xf32, #tpu.memory_space<hbm>> -> memref<208x64xf32, #tpu.memory_space<hbm>>
      tpu.wait_dma2 semaphore(%arg14 : memref<!tpu.dma_semaphore, #tpu.memory_space<semaphore_mem>>) src(%dma_wait3A_154 : memref<208x64xf32, #tpu.memory_space<hbm>>) dst(%arg10 : memref<208x64xf32, #tpu.memory_space<vmem>>)
      %get3A_155 = arith.constant 0 : i32
      %get3A_156 = arith.index_cast %get3A_155 : i32 to index
      %get3A_157 = memref.load %arg9[%get3A_156] : memref<4xi32, #tpu.memory_space<smem>>
      %add3A_158 = arith.addi %mul3A_2, %sub3A_148 : i32
      %mul3A_159 = arith.constant 200 : i32
      %mul3A_160 = arith.muli %add3A_158, %mul3A_159 : i32
      %dma_start3A_161 = arith.constant 0 : i32
      %dma_start3A_162 = tpu.memref_slice %arg10[%get3A_157, %dma_start3A_161] : memref<208x64xf32, #tpu.memory_space<vmem>> -> memref<200x64xf32, #tpu.memory_space<vmem>>
      %dma_start3A_163 = arith.constant 0 : i32
      %dma_start3A_164 = tpu.memref_slice %arg6[%mul3A_160, %dma_start3A_163] : memref<819200x64xf32, #tpu.memory_space<hbm>> -> memref<200x64xf32, #tpu.memory_space<hbm>>
      %dma_start3A_165 = arith.constant 0 : i32
      %dma_start3A_166 = tpu.memref_slice %arg6[%mul3A_160, %dma_start3A_165] : memref<819200x64xf32, #tpu.memory_space<hbm>> -> memref<200x64xf32, #tpu.memory_space<hbm>>
      %dma_start3A_167 = arith.constant 0 : i32
      %dma_start3A_168 = tpu.memref_slice %arg10[%get3A_157, %dma_start3A_167] : memref<208x64xf32, #tpu.memory_space<vmem>> -> memref<200x64xf32, #tpu.memory_space<vmem>>
      tpu.enqueue_dma source(%dma_start3A_168 : memref<200x64xf32, #tpu.memory_space<vmem>>) target(%dma_start3A_166 : memref<200x64xf32, #tpu.memory_space<hbm>>) target_semaphore(%arg18 : memref<!tpu.dma_semaphore, #tpu.memory_space<semaphore_mem>>)
      %mul3A_169 = arith.constant 16 : i32
      %mul3A_170 = arith.muli %scan3A_77, %mul3A_169 : i32
      %add3A_171 = arith.constant 2 : i32
      %add3A_172 = arith.addi %mul3A_170, %add3A_171 : i32
      %gt3A_173 = arith.constant 0 : i32
      %gt3A_174 = arith.cmpi sgt, %scan3A_77, %gt3A_173 : i32
      %convert_element_type3A_175 = arith.extui %gt3A_174 : i1 to i32
      %cond3A_176 = arith.constant 0 : i32
      %cond3A_177 = arith.cmpi ne, %convert_element_type3A_175, %cond3A_176 : i32
      scf.if %cond3A_177 {
        %dma_wait3A_1023 = arith.constant 0 : i32
        %dma_wait3A_1024 = arith.constant 0 : i32
        %dma_wait3A_1025 = tpu.memref_slice %arg12[%dma_wait3A_1023, %dma_wait3A_1024] : memref<208x64xf32, #tpu.memory_space<vmem>> -> memref<200x64xf32, #tpu.memory_space<vmem>>
        %dma_wait3A_1026 = arith.constant 0 : i32
        %dma_wait3A_1027 = arith.constant 0 : i32
        %dma_wait3A_1028 = tpu.memref_slice %arg6[%dma_wait3A_1026, %dma_wait3A_1027] : memref<819200x64xf32, #tpu.memory_space<hbm>> -> memref<200x64xf32, #tpu.memory_space<hbm>>
        %dma_wait3A_1029 = arith.constant 0 : i32
        %dma_wait3A_1030 = arith.constant 0 : i32
        %dma_wait3A_1031 = tpu.memref_slice %arg6[%dma_wait3A_1029, %dma_wait3A_1030] : memref<819200x64xf32, #tpu.memory_space<hbm>> -> memref<200x64xf32, #tpu.memory_space<hbm>>
        %dma_wait3A_1032 = arith.constant 0 : i32
        %dma_wait3A_1033 = arith.constant 0 : i32
        %dma_wait3A_1034 = tpu.memref_slice %arg12[%dma_wait3A_1032, %dma_wait3A_1033] : memref<208x64xf32, #tpu.memory_space<vmem>> -> memref<200x64xf32, #tpu.memory_space<vmem>>
        tpu.wait_dma2 semaphore(%arg20 : memref<!tpu.dma_semaphore, #tpu.memory_space<semaphore_mem>>) src(%dma_wait3A_1034 : memref<200x64xf32, #tpu.memory_space<vmem>>) dst(%dma_wait3A_1031 : memref<200x64xf32, #tpu.memory_space<hbm>>)
      } else {
      }
      %slice3A_178 = vector.extract_strided_slice %get3A_82 {offsets = [2], sizes = [1], strides = [1]} : vector<16xi32> to vector<1xi32>
      %squeeze3A_179 = vector.extract %slice3A_178[0] : i32 from vector<1xi32>
      %add3A_180 = arith.addi %squeeze3A_179, %squeeze3A : i32
      %ge3A_181 = arith.constant 100000 : i32
      %ge3A_182 = arith.cmpi sge, %add3A_180, %ge3A_181 : i32
      %sub3A_183 = arith.constant 100000 : i32
      %sub3A_184 = arith.subi %add3A_180, %sub3A_183 : i32
      %select_n3A_185 = arith.select %ge3A_182, %sub3A_184, %add3A_180 : i32
      %and3A_186 = arith.constant 7 : i32
      %and3A_187 = arith.andi %select_n3A_185, %and3A_186 : i32
      %swap3A_188 = arith.constant 2 : i32
      %swap3A_189 = arith.index_cast %swap3A_188 : i32 to index
      %swap3A_190 = memref.load %arg9[%swap3A_189] : memref<4xi32, #tpu.memory_space<smem>>
      memref.store %and3A_187, %arg9[%swap3A_189] : memref<4xi32, #tpu.memory_space<smem>>
      %sub3A_191 = arith.subi %select_n3A_185, %and3A_187 : i32
      %gt3A_192 = arith.constant 99792 : i32
      %gt3A_193 = arith.cmpi sgt, %select_n3A_185, %gt3A_192 : i32
      %convert_element_type3A_194 = arith.extui %gt3A_193 : i1 to i32
      %cond3A_195 = arith.constant 0 : i32
      %cond3A_196 = arith.cmpi ne, %convert_element_type3A_194, %cond3A_195 : i32
      scf.if %cond3A_196 {
        %sub3A_1023 = arith.constant 99744 : i32
        %sub3A_1024 = arith.subi %sub3A_191, %sub3A_1023 : i32
        %multiple_of3A = tpu.assume_multiple %sub3A_1024, 8 : i32
        %dma_start3A_1025 = arith.constant 0 : i32
        %dma_start3A_1026 = tpu.memref_slice %arg5[%multiple_of3A, %dma_start3A_1025] : memref<512x64xf32, #tpu.memory_space<hbm>> -> memref<208x64xf32, #tpu.memory_space<hbm>>
        %dma_start3A_1027 = arith.constant 0 : i32
        %dma_start3A_1028 = tpu.memref_slice %arg5[%multiple_of3A, %dma_start3A_1027] : memref<512x64xf32, #tpu.memory_space<hbm>> -> memref<208x64xf32, #tpu.memory_space<hbm>>
        tpu.enqueue_dma source(%dma_start3A_1028 : memref<208x64xf32, #tpu.memory_space<hbm>>) target(%arg12 : memref<208x64xf32, #tpu.memory_space<vmem>>) target_semaphore(%arg16 : memref<!tpu.dma_semaphore, #tpu.memory_space<semaphore_mem>>)
      } else {
      }
      %not3A_197 = arith.constant true
      %not3A_198 = arith.xori %gt3A_193, %not3A_197 : i1
      %convert_element_type3A_199 = arith.extui %not3A_198 : i1 to i32
      %cond3A_200 = arith.constant 0 : i32
      %cond3A_201 = arith.cmpi ne, %convert_element_type3A_199, %cond3A_200 : i32
      scf.if %cond3A_201 {
        %multiple_of3A = tpu.assume_multiple %sub3A_191, 8 : i32
        %dma_start3A_1023 = arith.constant 0 : i32
        %dma_start3A_1024 = tpu.memref_slice %arg4[%multiple_of3A, %dma_start3A_1023] : memref<100000x64xf32, #tpu.memory_space<hbm>> -> memref<208x64xf32, #tpu.memory_space<hbm>>
        %dma_start3A_1025 = arith.constant 0 : i32
        %dma_start3A_1026 = tpu.memref_slice %arg4[%multiple_of3A, %dma_start3A_1025] : memref<100000x64xf32, #tpu.memory_space<hbm>> -> memref<208x64xf32, #tpu.memory_space<hbm>>
        tpu.enqueue_dma source(%dma_start3A_1026 : memref<208x64xf32, #tpu.memory_space<hbm>>) target(%arg12 : memref<208x64xf32, #tpu.memory_space<vmem>>) target_semaphore(%arg16 : memref<!tpu.dma_semaphore, #tpu.memory_space<semaphore_mem>>)
      } else {
      }
      %sub3A_202 = arith.constant 1 : i32
      %sub3A_203 = arith.subi %add3A_172, %sub3A_202 : i32
      %dma_wait3A_204 = arith.constant 0 : i32
      %dma_wait3A_205 = arith.constant 0 : i32
      %dma_wait3A_206 = tpu.memref_slice %arg4[%dma_wait3A_204, %dma_wait3A_205] : memref<100000x64xf32, #tpu.memory_space<hbm>> -> memref<208x64xf32, #tpu.memory_space<hbm>>
      %dma_wait3A_207 = arith.constant 0 : i32
      %dma_wait3A_208 = arith.constant 0 : i32
      %dma_wait3A_209 = tpu.memref_slice %arg4[%dma_wait3A_207, %dma_wait3A_208] : memref<100000x64xf32, #tpu.memory_space<hbm>> -> memref<208x64xf32, #tpu.memory_space<hbm>>
      tpu.wait_dma2 semaphore(%arg15 : memref<!tpu.dma_semaphore, #tpu.memory_space<semaphore_mem>>) src(%dma_wait3A_209 : memref<208x64xf32, #tpu.memory_space<hbm>>) dst(%arg11 : memref<208x64xf32, #tpu.memory_space<vmem>>)
      %get3A_210 = arith.constant 1 : i32
      %get3A_211 = arith.index_cast %get3A_210 : i32 to index
      %get3A_212 = memref.load %arg9[%get3A_211] : memref<4xi32, #tpu.memory_space<smem>>
      %add3A_213 = arith.addi %mul3A_2, %sub3A_203 : i32
      %mul3A_214 = arith.constant 200 : i32
      %mul3A_215 = arith.muli %add3A_213, %mul3A_214 : i32
      %dma_start3A_216 = arith.constant 0 : i32
      %dma_start3A_217 = tpu.memref_slice %arg11[%get3A_212, %dma_start3A_216] : memref<208x64xf32, #tpu.memory_space<vmem>> -> memref<200x64xf32, #tpu.memory_space<vmem>>
      %dma_start3A_218 = arith.constant 0 : i32
      %dma_start3A_219 = tpu.memref_slice %arg6[%mul3A_215, %dma_start3A_218] : memref<819200x64xf32, #tpu.memory_space<hbm>> -> memref<200x64xf32, #tpu.memory_space<hbm>>
      %dma_start3A_220 = arith.constant 0 : i32
      %dma_start3A_221 = tpu.memref_slice %arg6[%mul3A_215, %dma_start3A_220] : memref<819200x64xf32, #tpu.memory_space<hbm>> -> memref<200x64xf32, #tpu.memory_space<hbm>>
      %dma_start3A_222 = arith.constant 0 : i32
      %dma_start3A_223 = tpu.memref_slice %arg11[%get3A_212, %dma_start3A_222] : memref<208x64xf32, #tpu.memory_space<vmem>> -> memref<200x64xf32, #tpu.memory_space<vmem>>
      tpu.enqueue_dma source(%dma_start3A_223 : memref<200x64xf32, #tpu.memory_space<vmem>>) target(%dma_start3A_221 : memref<200x64xf32, #tpu.memory_space<hbm>>) target_semaphore(%arg19 : memref<!tpu.dma_semaphore, #tpu.memory_space<semaphore_mem>>)
      %mul3A_224 = arith.constant 16 : i32
      %mul3A_225 = arith.muli %scan3A_77, %mul3A_224 : i32
      %add3A_226 = arith.constant 3 : i32
      %add3A_227 = arith.addi %mul3A_225, %add3A_226 : i32
      %gt3A_228 = arith.constant 0 : i32
      %gt3A_229 = arith.cmpi sgt, %scan3A_77, %gt3A_228 : i32
      %convert_element_type3A_230 = arith.extui %gt3A_229 : i1 to i32
      %cond3A_231 = arith.constant 0 : i32
      %cond3A_232 = arith.cmpi ne, %convert_element_type3A_230, %cond3A_231 : i32
      scf.if %cond3A_232 {
        %dma_wait3A_1023 = arith.constant 0 : i32
        %dma_wait3A_1024 = arith.constant 0 : i32
        %dma_wait3A_1025 = tpu.memref_slice %arg13[%dma_wait3A_1023, %dma_wait3A_1024] : memref<208x64xf32, #tpu.memory_space<vmem>> -> memref<200x64xf32, #tpu.memory_space<vmem>>
        %dma_wait3A_1026 = arith.constant 0 : i32
        %dma_wait3A_1027 = arith.constant 0 : i32
        %dma_wait3A_1028 = tpu.memref_slice %arg6[%dma_wait3A_1026, %dma_wait3A_1027] : memref<819200x64xf32, #tpu.memory_space<hbm>> -> memref<200x64xf32, #tpu.memory_space<hbm>>
        %dma_wait3A_1029 = arith.constant 0 : i32
        %dma_wait3A_1030 = arith.constant 0 : i32
        %dma_wait3A_1031 = tpu.memref_slice %arg6[%dma_wait3A_1029, %dma_wait3A_1030] : memref<819200x64xf32, #tpu.memory_space<hbm>> -> memref<200x64xf32, #tpu.memory_space<hbm>>
        %dma_wait3A_1032 = arith.constant 0 : i32
        %dma_wait3A_1033 = arith.constant 0 : i32
        %dma_wait3A_1034 = tpu.memref_slice %arg13[%dma_wait3A_1032, %dma_wait3A_1033] : memref<208x64xf32, #tpu.memory_space<vmem>> -> memref<200x64xf32, #tpu.memory_space<vmem>>
        tpu.wait_dma2 semaphore(%arg21 : memref<!tpu.dma_semaphore, #tpu.memory_space<semaphore_mem>>) src(%dma_wait3A_1034 : memref<200x64xf32, #tpu.memory_space<vmem>>) dst(%dma_wait3A_1031 : memref<200x64xf32, #tpu.memory_space<hbm>>)
      } else {
      }
      %slice3A_233 = vector.extract_strided_slice %get3A_82 {offsets = [3], sizes = [1], strides = [1]} : vector<16xi32> to vector<1xi32>
      %squeeze3A_234 = vector.extract %slice3A_233[0] : i32 from vector<1xi32>
      %add3A_235 = arith.addi %squeeze3A_234, %squeeze3A : i32
      %ge3A_236 = arith.constant 100000 : i32
      %ge3A_237 = arith.cmpi sge, %add3A_235, %ge3A_236 : i32
      %sub3A_238 = arith.constant 100000 : i32
      %sub3A_239 = arith.subi %add3A_235, %sub3A_238 : i32
      %select_n3A_240 = arith.select %ge3A_237, %sub3A_239, %add3A_235 : i32
      %and3A_241 = arith.constant 7 : i32
      %and3A_242 = arith.andi %select_n3A_240, %and3A_241 : i32
      %swap3A_243 = arith.constant 3 : i32
      %swap3A_244 = arith.index_cast %swap3A_243 : i32 to index
      %swap3A_245 = memref.load %arg9[%swap3A_244] : memref<4xi32, #tpu.memory_space<smem>>
      memref.store %and3A_242, %arg9[%swap3A_244] : memref<4xi32, #tpu.memory_space<smem>>
      %sub3A_246 = arith.subi %select_n3A_240, %and3A_242 : i32
      %gt3A_247 = arith.constant 99792 : i32
      %gt3A_248 = arith.cmpi sgt, %select_n3A_240, %gt3A_247 : i32
      %convert_element_type3A_249 = arith.extui %gt3A_248 : i1 to i32
      %cond3A_250 = arith.constant 0 : i32
      %cond3A_251 = arith.cmpi ne, %convert_element_type3A_249, %cond3A_250 : i32
      scf.if %cond3A_251 {
        %sub3A_1023 = arith.constant 99744 : i32
        %sub3A_1024 = arith.subi %sub3A_246, %sub3A_1023 : i32
        %multiple_of3A = tpu.assume_multiple %sub3A_1024, 8 : i32
        %dma_start3A_1025 = arith.constant 0 : i32
        %dma_start3A_1026 = tpu.memref_slice %arg5[%multiple_of3A, %dma_start3A_1025] : memref<512x64xf32, #tpu.memory_space<hbm>> -> memref<208x64xf32, #tpu.memory_space<hbm>>
        %dma_start3A_1027 = arith.constant 0 : i32
        %dma_start3A_1028 = tpu.memref_slice %arg5[%multiple_of3A, %dma_start3A_1027] : memref<512x64xf32, #tpu.memory_space<hbm>> -> memref<208x64xf32, #tpu.memory_space<hbm>>
        tpu.enqueue_dma source(%dma_start3A_1028 : memref<208x64xf32, #tpu.memory_space<hbm>>) target(%arg13 : memref<208x64xf32, #tpu.memory_space<vmem>>) target_semaphore(%arg17 : memref<!tpu.dma_semaphore, #tpu.memory_space<semaphore_mem>>)
      } else {
      }
      %not3A_252 = arith.constant true
      %not3A_253 = arith.xori %gt3A_248, %not3A_252 : i1
      %convert_element_type3A_254 = arith.extui %not3A_253 : i1 to i32
      %cond3A_255 = arith.constant 0 : i32
      %cond3A_256 = arith.cmpi ne, %convert_element_type3A_254, %cond3A_255 : i32
      scf.if %cond3A_256 {
        %multiple_of3A = tpu.assume_multiple %sub3A_246, 8 : i32
        %dma_start3A_1023 = arith.constant 0 : i32
        %dma_start3A_1024 = tpu.memref_slice %arg4[%multiple_of3A, %dma_start3A_1023] : memref<100000x64xf32, #tpu.memory_space<hbm>> -> memref<208x64xf32, #tpu.memory_space<hbm>>
        %dma_start3A_1025 = arith.constant 0 : i32
        %dma_start3A_1026 = tpu.memref_slice %arg4[%multiple_of3A, %dma_start3A_1025] : memref<100000x64xf32, #tpu.memory_space<hbm>> -> memref<208x64xf32, #tpu.memory_space<hbm>>
        tpu.enqueue_dma source(%dma_start3A_1026 : memref<208x64xf32, #tpu.memory_space<hbm>>) target(%arg13 : memref<208x64xf32, #tpu.memory_space<vmem>>) target_semaphore(%arg17 : memref<!tpu.dma_semaphore, #tpu.memory_space<semaphore_mem>>)
      } else {
      }
      %sub3A_257 = arith.constant 1 : i32
      %sub3A_258 = arith.subi %add3A_227, %sub3A_257 : i32
      %dma_wait3A_259 = arith.constant 0 : i32
      %dma_wait3A_260 = arith.constant 0 : i32
      %dma_wait3A_261 = tpu.memref_slice %arg4[%dma_wait3A_259, %dma_wait3A_260] : memref<100000x64xf32, #tpu.memory_space<hbm>> -> memref<208x64xf32, #tpu.memory_space<hbm>>
      %dma_wait3A_262 = arith.constant 0 : i32
      %dma_wait3A_263 = arith.constant 0 : i32
      %dma_wait3A_264 = tpu.memref_slice %arg4[%dma_wait3A_262, %dma_wait3A_263] : memref<100000x64xf32, #tpu.memory_space<hbm>> -> memref<208x64xf32, #tpu.memory_space<hbm>>
      tpu.wait_dma2 semaphore(%arg16 : memref<!tpu.dma_semaphore, #tpu.memory_space<semaphore_mem>>) src(%dma_wait3A_264 : memref<208x64xf32, #tpu.memory_space<hbm>>) dst(%arg12 : memref<208x64xf32, #tpu.memory_space<vmem>>)
      %get3A_265 = arith.constant 2 : i32
      %get3A_266 = arith.index_cast %get3A_265 : i32 to index
      %get3A_267 = memref.load %arg9[%get3A_266] : memref<4xi32, #tpu.memory_space<smem>>
      %add3A_268 = arith.addi %mul3A_2, %sub3A_258 : i32
      %mul3A_269 = arith.constant 200 : i32
      %mul3A_270 = arith.muli %add3A_268, %mul3A_269 : i32
      %dma_start3A_271 = arith.constant 0 : i32
      %dma_start3A_272 = tpu.memref_slice %arg12[%get3A_267, %dma_start3A_271] : memref<208x64xf32, #tpu.memory_space<vmem>> -> memref<200x64xf32, #tpu.memory_space<vmem>>
      %dma_start3A_273 = arith.constant 0 : i32
      %dma_start3A_274 = tpu.memref_slice %arg6[%mul3A_270, %dma_start3A_273] : memref<819200x64xf32, #tpu.memory_space<hbm>> -> memref<200x64xf32, #tpu.memory_space<hbm>>
      %dma_start3A_275 = arith.constant 0 : i32
      %dma_start3A_276 = tpu.memref_slice %arg6[%mul3A_270, %dma_start3A_275] : memref<819200x64xf32, #tpu.memory_space<hbm>> -> memref<200x64xf32, #tpu.memory_space<hbm>>
      %dma_start3A_277 = arith.constant 0 : i32
      %dma_start3A_278 = tpu.memref_slice %arg12[%get3A_267, %dma_start3A_277] : memref<208x64xf32, #tpu.memory_space<vmem>> -> memref<200x64xf32, #tpu.memory_space<vmem>>
      tpu.enqueue_dma source(%dma_start3A_278 : memref<200x64xf32, #tpu.memory_space<vmem>>) target(%dma_start3A_276 : memref<200x64xf32, #tpu.memory_space<hbm>>) target_semaphore(%arg20 : memref<!tpu.dma_semaphore, #tpu.memory_space<semaphore_mem>>)
      %mul3A_279 = arith.constant 16 : i32
      %mul3A_280 = arith.muli %scan3A_77, %mul3A_279 : i32
      %add3A_281 = arith.constant 4 : i32
      %add3A_282 = arith.addi %mul3A_280, %add3A_281 : i32
      %dma_wait3A_283 = arith.constant 0 : i32
      %dma_wait3A_284 = arith.constant 0 : i32
      %dma_wait3A_285 = tpu.memref_slice %arg10[%dma_wait3A_283, %dma_wait3A_284] : memref<208x64xf32, #tpu.memory_space<vmem>> -> memref<200x64xf32, #tpu.memory_space<vmem>>
      %dma_wait3A_286 = arith.constant 0 : i32
      %dma_wait3A_287 = arith.constant 0 : i32
      %dma_wait3A_288 = tpu.memref_slice %arg6[%dma_wait3A_286, %dma_wait3A_287] : memref<819200x64xf32, #tpu.memory_space<hbm>> -> memref<200x64xf32, #tpu.memory_space<hbm>>
      %dma_wait3A_289 = arith.constant 0 : i32
      %dma_wait3A_290 = arith.constant 0 : i32
      %dma_wait3A_291 = tpu.memref_slice %arg6[%dma_wait3A_289, %dma_wait3A_290] : memref<819200x64xf32, #tpu.memory_space<hbm>> -> memref<200x64xf32, #tpu.memory_space<hbm>>
      %dma_wait3A_292 = arith.constant 0 : i32
      %dma_wait3A_293 = arith.constant 0 : i32
      %dma_wait3A_294 = tpu.memref_slice %arg10[%dma_wait3A_292, %dma_wait3A_293] : memref<208x64xf32, #tpu.memory_space<vmem>> -> memref<200x64xf32, #tpu.memory_space<vmem>>
      tpu.wait_dma2 semaphore(%arg18 : memref<!tpu.dma_semaphore, #tpu.memory_space<semaphore_mem>>) src(%dma_wait3A_294 : memref<200x64xf32, #tpu.memory_space<vmem>>) dst(%dma_wait3A_291 : memref<200x64xf32, #tpu.memory_space<hbm>>)
      %slice3A_295 = vector.extract_strided_slice %get3A_82 {offsets = [4], sizes = [1], strides = [1]} : vector<16xi32> to vector<1xi32>
      %squeeze3A_296 = vector.extract %slice3A_295[0] : i32 from vector<1xi32>
      %add3A_297 = arith.addi %squeeze3A_296, %squeeze3A : i32
      %ge3A_298 = arith.constant 100000 : i32
      %ge3A_299 = arith.cmpi sge, %add3A_297, %ge3A_298 : i32
      %sub3A_300 = arith.constant 100000 : i32
      %sub3A_301 = arith.subi %add3A_297, %sub3A_300 : i32
      %select_n3A_302 = arith.select %ge3A_299, %sub3A_301, %add3A_297 : i32
      %and3A_303 = arith.constant 7 : i32
      %and3A_304 = arith.andi %select_n3A_302, %and3A_303 : i32
      %swap3A_305 = arith.constant 0 : i32
      %swap3A_306 = arith.index_cast %swap3A_305 : i32 to index
      %swap3A_307 = memref.load %arg9[%swap3A_306] : memref<4xi32, #tpu.memory_space<smem>>
      memref.store %and3A_304, %arg9[%swap3A_306] : memref<4xi32, #tpu.memory_space<smem>>
      %sub3A_308 = arith.subi %select_n3A_302, %and3A_304 : i32
      %gt3A_309 = arith.constant 99792 : i32
      %gt3A_310 = arith.cmpi sgt, %select_n3A_302, %gt3A_309 : i32
      %convert_element_type3A_311 = arith.extui %gt3A_310 : i1 to i32
      %cond3A_312 = arith.constant 0 : i32
      %cond3A_313 = arith.cmpi ne, %convert_element_type3A_311, %cond3A_312 : i32
      scf.if %cond3A_313 {
        %sub3A_1023 = arith.constant 99744 : i32
        %sub3A_1024 = arith.subi %sub3A_308, %sub3A_1023 : i32
        %multiple_of3A = tpu.assume_multiple %sub3A_1024, 8 : i32
        %dma_start3A_1025 = arith.constant 0 : i32
        %dma_start3A_1026 = tpu.memref_slice %arg5[%multiple_of3A, %dma_start3A_1025] : memref<512x64xf32, #tpu.memory_space<hbm>> -> memref<208x64xf32, #tpu.memory_space<hbm>>
        %dma_start3A_1027 = arith.constant 0 : i32
        %dma_start3A_1028 = tpu.memref_slice %arg5[%multiple_of3A, %dma_start3A_1027] : memref<512x64xf32, #tpu.memory_space<hbm>> -> memref<208x64xf32, #tpu.memory_space<hbm>>
        tpu.enqueue_dma source(%dma_start3A_1028 : memref<208x64xf32, #tpu.memory_space<hbm>>) target(%arg10 : memref<208x64xf32, #tpu.memory_space<vmem>>) target_semaphore(%arg14 : memref<!tpu.dma_semaphore, #tpu.memory_space<semaphore_mem>>)
      } else {
      }
      %not3A_314 = arith.constant true
      %not3A_315 = arith.xori %gt3A_310, %not3A_314 : i1
      %convert_element_type3A_316 = arith.extui %not3A_315 : i1 to i32
      %cond3A_317 = arith.constant 0 : i32
      %cond3A_318 = arith.cmpi ne, %convert_element_type3A_316, %cond3A_317 : i32
      scf.if %cond3A_318 {
        %multiple_of3A = tpu.assume_multiple %sub3A_308, 8 : i32
        %dma_start3A_1023 = arith.constant 0 : i32
        %dma_start3A_1024 = tpu.memref_slice %arg4[%multiple_of3A, %dma_start3A_1023] : memref<100000x64xf32, #tpu.memory_space<hbm>> -> memref<208x64xf32, #tpu.memory_space<hbm>>
        %dma_start3A_1025 = arith.constant 0 : i32
        %dma_start3A_1026 = tpu.memref_slice %arg4[%multiple_of3A, %dma_start3A_1025] : memref<100000x64xf32, #tpu.memory_space<hbm>> -> memref<208x64xf32, #tpu.memory_space<hbm>>
        tpu.enqueue_dma source(%dma_start3A_1026 : memref<208x64xf32, #tpu.memory_space<hbm>>) target(%arg10 : memref<208x64xf32, #tpu.memory_space<vmem>>) target_semaphore(%arg14 : memref<!tpu.dma_semaphore, #tpu.memory_space<semaphore_mem>>)
      } else {
      }
      %sub3A_319 = arith.constant 1 : i32
      %sub3A_320 = arith.subi %add3A_282, %sub3A_319 : i32
      %dma_wait3A_321 = arith.constant 0 : i32
      %dma_wait3A_322 = arith.constant 0 : i32
      %dma_wait3A_323 = tpu.memref_slice %arg4[%dma_wait3A_321, %dma_wait3A_322] : memref<100000x64xf32, #tpu.memory_space<hbm>> -> memref<208x64xf32, #tpu.memory_space<hbm>>
      %dma_wait3A_324 = arith.constant 0 : i32
      %dma_wait3A_325 = arith.constant 0 : i32
      %dma_wait3A_326 = tpu.memref_slice %arg4[%dma_wait3A_324, %dma_wait3A_325] : memref<100000x64xf32, #tpu.memory_space<hbm>> -> memref<208x64xf32, #tpu.memory_space<hbm>>
      tpu.wait_dma2 semaphore(%arg17 : memref<!tpu.dma_semaphore, #tpu.memory_space<semaphore_mem>>) src(%dma_wait3A_326 : memref<208x64xf32, #tpu.memory_space<hbm>>) dst(%arg13 : memref<208x64xf32, #tpu.memory_space<vmem>>)
      %get3A_327 = arith.constant 3 : i32
      %get3A_328 = arith.index_cast %get3A_327 : i32 to index
      %get3A_329 = memref.load %arg9[%get3A_328] : memref<4xi32, #tpu.memory_space<smem>>
      %add3A_330 = arith.addi %mul3A_2, %sub3A_320 : i32
      %mul3A_331 = arith.constant 200 : i32
      %mul3A_332 = arith.muli %add3A_330, %mul3A_331 : i32
      %dma_start3A_333 = arith.constant 0 : i32
      %dma_start3A_334 = tpu.memref_slice %arg13[%get3A_329, %dma_start3A_333] : memref<208x64xf32, #tpu.memory_space<vmem>> -> memref<200x64xf32, #tpu.memory_space<vmem>>
      %dma_start3A_335 = arith.constant 0 : i32
      %dma_start3A_336 = tpu.memref_slice %arg6[%mul3A_332, %dma_start3A_335] : memref<819200x64xf32, #tpu.memory_space<hbm>> -> memref<200x64xf32, #tpu.memory_space<hbm>>
      %dma_start3A_337 = arith.constant 0 : i32
      %dma_start3A_338 = tpu.memref_slice %arg6[%mul3A_332, %dma_start3A_337] : memref<819200x64xf32, #tpu.memory_space<hbm>> -> memref<200x64xf32, #tpu.memory_space<hbm>>
      %dma_start3A_339 = arith.constant 0 : i32
      %dma_start3A_340 = tpu.memref_slice %arg13[%get3A_329, %dma_start3A_339] : memref<208x64xf32, #tpu.memory_space<vmem>> -> memref<200x64xf32, #tpu.memory_space<vmem>>
      tpu.enqueue_dma source(%dma_start3A_340 : memref<200x64xf32, #tpu.memory_space<vmem>>) target(%dma_start3A_338 : memref<200x64xf32, #tpu.memory_space<hbm>>) target_semaphore(%arg21 : memref<!tpu.dma_semaphore, #tpu.memory_space<semaphore_mem>>)
      %mul3A_341 = arith.constant 16 : i32
      %mul3A_342 = arith.muli %scan3A_77, %mul3A_341 : i32
      %add3A_343 = arith.constant 5 : i32
      %add3A_344 = arith.addi %mul3A_342, %add3A_343 : i32
      %dma_wait3A_345 = arith.constant 0 : i32
      %dma_wait3A_346 = arith.constant 0 : i32
      %dma_wait3A_347 = tpu.memref_slice %arg11[%dma_wait3A_345, %dma_wait3A_346] : memref<208x64xf32, #tpu.memory_space<vmem>> -> memref<200x64xf32, #tpu.memory_space<vmem>>
      %dma_wait3A_348 = arith.constant 0 : i32
      %dma_wait3A_349 = arith.constant 0 : i32
      %dma_wait3A_350 = tpu.memref_slice %arg6[%dma_wait3A_348, %dma_wait3A_349] : memref<819200x64xf32, #tpu.memory_space<hbm>> -> memref<200x64xf32, #tpu.memory_space<hbm>>
      %dma_wait3A_351 = arith.constant 0 : i32
      %dma_wait3A_352 = arith.constant 0 : i32
      %dma_wait3A_353 = tpu.memref_slice %arg6[%dma_wait3A_351, %dma_wait3A_352] : memref<819200x64xf32, #tpu.memory_space<hbm>> -> memref<200x64xf32, #tpu.memory_space<hbm>>
      %dma_wait3A_354 = arith.constant 0 : i32
      %dma_wait3A_355 = arith.constant 0 : i32
      %dma_wait3A_356 = tpu.memref_slice %arg11[%dma_wait3A_354, %dma_wait3A_355] : memref<208x64xf32, #tpu.memory_space<vmem>> -> memref<200x64xf32, #tpu.memory_space<vmem>>
      tpu.wait_dma2 semaphore(%arg19 : memref<!tpu.dma_semaphore, #tpu.memory_space<semaphore_mem>>) src(%dma_wait3A_356 : memref<200x64xf32, #tpu.memory_space<vmem>>) dst(%dma_wait3A_353 : memref<200x64xf32, #tpu.memory_space<hbm>>)
      %slice3A_357 = vector.extract_strided_slice %get3A_82 {offsets = [5], sizes = [1], strides = [1]} : vector<16xi32> to vector<1xi32>
      %squeeze3A_358 = vector.extract %slice3A_357[0] : i32 from vector<1xi32>
      %add3A_359 = arith.addi %squeeze3A_358, %squeeze3A : i32
      %ge3A_360 = arith.constant 100000 : i32
      %ge3A_361 = arith.cmpi sge, %add3A_359, %ge3A_360 : i32
      %sub3A_362 = arith.constant 100000 : i32
      %sub3A_363 = arith.subi %add3A_359, %sub3A_362 : i32
      %select_n3A_364 = arith.select %ge3A_361, %sub3A_363, %add3A_359 : i32
      %and3A_365 = arith.constant 7 : i32
      %and3A_366 = arith.andi %select_n3A_364, %and3A_365 : i32
      %swap3A_367 = arith.constant 1 : i32
      %swap3A_368 = arith.index_cast %swap3A_367 : i32 to index
      %swap3A_369 = memref.load %arg9[%swap3A_368] : memref<4xi32, #tpu.memory_space<smem>>
      memref.store %and3A_366, %arg9[%swap3A_368] : memref<4xi32, #tpu.memory_space<smem>>
      %sub3A_370 = arith.subi %select_n3A_364, %and3A_366 : i32
      %gt3A_371 = arith.constant 99792 : i32
      %gt3A_372 = arith.cmpi sgt, %select_n3A_364, %gt3A_371 : i32
      %convert_element_type3A_373 = arith.extui %gt3A_372 : i1 to i32
      %cond3A_374 = arith.constant 0 : i32
      %cond3A_375 = arith.cmpi ne, %convert_element_type3A_373, %cond3A_374 : i32
      scf.if %cond3A_375 {
        %sub3A_1023 = arith.constant 99744 : i32
        %sub3A_1024 = arith.subi %sub3A_370, %sub3A_1023 : i32
        %multiple_of3A = tpu.assume_multiple %sub3A_1024, 8 : i32
        %dma_start3A_1025 = arith.constant 0 : i32
        %dma_start3A_1026 = tpu.memref_slice %arg5[%multiple_of3A, %dma_start3A_1025] : memref<512x64xf32, #tpu.memory_space<hbm>> -> memref<208x64xf32, #tpu.memory_space<hbm>>
        %dma_start3A_1027 = arith.constant 0 : i32
        %dma_start3A_1028 = tpu.memref_slice %arg5[%multiple_of3A, %dma_start3A_1027] : memref<512x64xf32, #tpu.memory_space<hbm>> -> memref<208x64xf32, #tpu.memory_space<hbm>>
        tpu.enqueue_dma source(%dma_start3A_1028 : memref<208x64xf32, #tpu.memory_space<hbm>>) target(%arg11 : memref<208x64xf32, #tpu.memory_space<vmem>>) target_semaphore(%arg15 : memref<!tpu.dma_semaphore, #tpu.memory_space<semaphore_mem>>)
      } else {
      }
      %not3A_376 = arith.constant true
      %not3A_377 = arith.xori %gt3A_372, %not3A_376 : i1
      %convert_element_type3A_378 = arith.extui %not3A_377 : i1 to i32
      %cond3A_379 = arith.constant 0 : i32
      %cond3A_380 = arith.cmpi ne, %convert_element_type3A_378, %cond3A_379 : i32
      scf.if %cond3A_380 {
        %multiple_of3A = tpu.assume_multiple %sub3A_370, 8 : i32
        %dma_start3A_1023 = arith.constant 0 : i32
        %dma_start3A_1024 = tpu.memref_slice %arg4[%multiple_of3A, %dma_start3A_1023] : memref<100000x64xf32, #tpu.memory_space<hbm>> -> memref<208x64xf32, #tpu.memory_space<hbm>>
        %dma_start3A_1025 = arith.constant 0 : i32
        %dma_start3A_1026 = tpu.memref_slice %arg4[%multiple_of3A, %dma_start3A_1025] : memref<100000x64xf32, #tpu.memory_space<hbm>> -> memref<208x64xf32, #tpu.memory_space<hbm>>
        tpu.enqueue_dma source(%dma_start3A_1026 : memref<208x64xf32, #tpu.memory_space<hbm>>) target(%arg11 : memref<208x64xf32, #tpu.memory_space<vmem>>) target_semaphore(%arg15 : memref<!tpu.dma_semaphore, #tpu.memory_space<semaphore_mem>>)
      } else {
      }
      %sub3A_381 = arith.constant 1 : i32
      %sub3A_382 = arith.subi %add3A_344, %sub3A_381 : i32
      %dma_wait3A_383 = arith.constant 0 : i32
      %dma_wait3A_384 = arith.constant 0 : i32
      %dma_wait3A_385 = tpu.memref_slice %arg4[%dma_wait3A_383, %dma_wait3A_384] : memref<100000x64xf32, #tpu.memory_space<hbm>> -> memref<208x64xf32, #tpu.memory_space<hbm>>
      %dma_wait3A_386 = arith.constant 0 : i32
      %dma_wait3A_387 = arith.constant 0 : i32
      %dma_wait3A_388 = tpu.memref_slice %arg4[%dma_wait3A_386, %dma_wait3A_387] : memref<100000x64xf32, #tpu.memory_space<hbm>> -> memref<208x64xf32, #tpu.memory_space<hbm>>
      tpu.wait_dma2 semaphore(%arg14 : memref<!tpu.dma_semaphore, #tpu.memory_space<semaphore_mem>>) src(%dma_wait3A_388 : memref<208x64xf32, #tpu.memory_space<hbm>>) dst(%arg10 : memref<208x64xf32, #tpu.memory_space<vmem>>)
      %get3A_389 = arith.constant 0 : i32
      %get3A_390 = arith.index_cast %get3A_389 : i32 to index
      %get3A_391 = memref.load %arg9[%get3A_390] : memref<4xi32, #tpu.memory_space<smem>>
      %add3A_392 = arith.addi %mul3A_2, %sub3A_382 : i32
      %mul3A_393 = arith.constant 200 : i32
      %mul3A_394 = arith.muli %add3A_392, %mul3A_393 : i32
      %dma_start3A_395 = arith.constant 0 : i32
      %dma_start3A_396 = tpu.memref_slice %arg10[%get3A_391, %dma_start3A_395] : memref<208x64xf32, #tpu.memory_space<vmem>> -> memref<200x64xf32, #tpu.memory_space<vmem>>
      %dma_start3A_397 = arith.constant 0 : i32
      %dma_start3A_398 = tpu.memref_slice %arg6[%mul3A_394, %dma_start3A_397] : memref<819200x64xf32, #tpu.memory_space<hbm>> -> memref<200x64xf32, #tpu.memory_space<hbm>>
      %dma_start3A_399 = arith.constant 0 : i32
      %dma_start3A_400 = tpu.memref_slice %arg6[%mul3A_394, %dma_start3A_399] : memref<819200x64xf32, #tpu.memory_space<hbm>> -> memref<200x64xf32, #tpu.memory_space<hbm>>
      %dma_start3A_401 = arith.constant 0 : i32
      %dma_start3A_402 = tpu.memref_slice %arg10[%get3A_391, %dma_start3A_401] : memref<208x64xf32, #tpu.memory_space<vmem>> -> memref<200x64xf32, #tpu.memory_space<vmem>>
      tpu.enqueue_dma source(%dma_start3A_402 : memref<200x64xf32, #tpu.memory_space<vmem>>) target(%dma_start3A_400 : memref<200x64xf32, #tpu.memory_space<hbm>>) target_semaphore(%arg18 : memref<!tpu.dma_semaphore, #tpu.memory_space<semaphore_mem>>)
      %mul3A_403 = arith.constant 16 : i32
      %mul3A_404 = arith.muli %scan3A_77, %mul3A_403 : i32
      %add3A_405 = arith.constant 6 : i32
      %add3A_406 = arith.addi %mul3A_404, %add3A_405 : i32
      %dma_wait3A_407 = arith.constant 0 : i32
      %dma_wait3A_408 = arith.constant 0 : i32
      %dma_wait3A_409 = tpu.memref_slice %arg12[%dma_wait3A_407, %dma_wait3A_408] : memref<208x64xf32, #tpu.memory_space<vmem>> -> memref<200x64xf32, #tpu.memory_space<vmem>>
      %dma_wait3A_410 = arith.constant 0 : i32
      %dma_wait3A_411 = arith.constant 0 : i32
      %dma_wait3A_412 = tpu.memref_slice %arg6[%dma_wait3A_410, %dma_wait3A_411] : memref<819200x64xf32, #tpu.memory_space<hbm>> -> memref<200x64xf32, #tpu.memory_space<hbm>>
      %dma_wait3A_413 = arith.constant 0 : i32
      %dma_wait3A_414 = arith.constant 0 : i32
      %dma_wait3A_415 = tpu.memref_slice %arg6[%dma_wait3A_413, %dma_wait3A_414] : memref<819200x64xf32, #tpu.memory_space<hbm>> -> memref<200x64xf32, #tpu.memory_space<hbm>>
      %dma_wait3A_416 = arith.constant 0 : i32
      %dma_wait3A_417 = arith.constant 0 : i32
      %dma_wait3A_418 = tpu.memref_slice %arg12[%dma_wait3A_416, %dma_wait3A_417] : memref<208x64xf32, #tpu.memory_space<vmem>> -> memref<200x64xf32, #tpu.memory_space<vmem>>
      tpu.wait_dma2 semaphore(%arg20 : memref<!tpu.dma_semaphore, #tpu.memory_space<semaphore_mem>>) src(%dma_wait3A_418 : memref<200x64xf32, #tpu.memory_space<vmem>>) dst(%dma_wait3A_415 : memref<200x64xf32, #tpu.memory_space<hbm>>)
      %slice3A_419 = vector.extract_strided_slice %get3A_82 {offsets = [6], sizes = [1], strides = [1]} : vector<16xi32> to vector<1xi32>
      %squeeze3A_420 = vector.extract %slice3A_419[0] : i32 from vector<1xi32>
      %add3A_421 = arith.addi %squeeze3A_420, %squeeze3A : i32
      %ge3A_422 = arith.constant 100000 : i32
      %ge3A_423 = arith.cmpi sge, %add3A_421, %ge3A_422 : i32
      %sub3A_424 = arith.constant 100000 : i32
      %sub3A_425 = arith.subi %add3A_421, %sub3A_424 : i32
      %select_n3A_426 = arith.select %ge3A_423, %sub3A_425, %add3A_421 : i32
      %and3A_427 = arith.constant 7 : i32
      %and3A_428 = arith.andi %select_n3A_426, %and3A_427 : i32
      %swap3A_429 = arith.constant 2 : i32
      %swap3A_430 = arith.index_cast %swap3A_429 : i32 to index
      %swap3A_431 = memref.load %arg9[%swap3A_430] : memref<4xi32, #tpu.memory_space<smem>>
      memref.store %and3A_428, %arg9[%swap3A_430] : memref<4xi32, #tpu.memory_space<smem>>
      %sub3A_432 = arith.subi %select_n3A_426, %and3A_428 : i32
      %gt3A_433 = arith.constant 99792 : i32
      %gt3A_434 = arith.cmpi sgt, %select_n3A_426, %gt3A_433 : i32
      %convert_element_type3A_435 = arith.extui %gt3A_434 : i1 to i32
      %cond3A_436 = arith.constant 0 : i32
      %cond3A_437 = arith.cmpi ne, %convert_element_type3A_435, %cond3A_436 : i32
      scf.if %cond3A_437 {
        %sub3A_1023 = arith.constant 99744 : i32
        %sub3A_1024 = arith.subi %sub3A_432, %sub3A_1023 : i32
        %multiple_of3A = tpu.assume_multiple %sub3A_1024, 8 : i32
        %dma_start3A_1025 = arith.constant 0 : i32
        %dma_start3A_1026 = tpu.memref_slice %arg5[%multiple_of3A, %dma_start3A_1025] : memref<512x64xf32, #tpu.memory_space<hbm>> -> memref<208x64xf32, #tpu.memory_space<hbm>>
        %dma_start3A_1027 = arith.constant 0 : i32
        %dma_start3A_1028 = tpu.memref_slice %arg5[%multiple_of3A, %dma_start3A_1027] : memref<512x64xf32, #tpu.memory_space<hbm>> -> memref<208x64xf32, #tpu.memory_space<hbm>>
        tpu.enqueue_dma source(%dma_start3A_1028 : memref<208x64xf32, #tpu.memory_space<hbm>>) target(%arg12 : memref<208x64xf32, #tpu.memory_space<vmem>>) target_semaphore(%arg16 : memref<!tpu.dma_semaphore, #tpu.memory_space<semaphore_mem>>)
      } else {
      }
      %not3A_438 = arith.constant true
      %not3A_439 = arith.xori %gt3A_434, %not3A_438 : i1
      %convert_element_type3A_440 = arith.extui %not3A_439 : i1 to i32
      %cond3A_441 = arith.constant 0 : i32
      %cond3A_442 = arith.cmpi ne, %convert_element_type3A_440, %cond3A_441 : i32
      scf.if %cond3A_442 {
        %multiple_of3A = tpu.assume_multiple %sub3A_432, 8 : i32
        %dma_start3A_1023 = arith.constant 0 : i32
        %dma_start3A_1024 = tpu.memref_slice %arg4[%multiple_of3A, %dma_start3A_1023] : memref<100000x64xf32, #tpu.memory_space<hbm>> -> memref<208x64xf32, #tpu.memory_space<hbm>>
        %dma_start3A_1025 = arith.constant 0 : i32
        %dma_start3A_1026 = tpu.memref_slice %arg4[%multiple_of3A, %dma_start3A_1025] : memref<100000x64xf32, #tpu.memory_space<hbm>> -> memref<208x64xf32, #tpu.memory_space<hbm>>
        tpu.enqueue_dma source(%dma_start3A_1026 : memref<208x64xf32, #tpu.memory_space<hbm>>) target(%arg12 : memref<208x64xf32, #tpu.memory_space<vmem>>) target_semaphore(%arg16 : memref<!tpu.dma_semaphore, #tpu.memory_space<semaphore_mem>>)
      } else {
      }
      %sub3A_443 = arith.constant 1 : i32
      %sub3A_444 = arith.subi %add3A_406, %sub3A_443 : i32
      %dma_wait3A_445 = arith.constant 0 : i32
      %dma_wait3A_446 = arith.constant 0 : i32
      %dma_wait3A_447 = tpu.memref_slice %arg4[%dma_wait3A_445, %dma_wait3A_446] : memref<100000x64xf32, #tpu.memory_space<hbm>> -> memref<208x64xf32, #tpu.memory_space<hbm>>
      %dma_wait3A_448 = arith.constant 0 : i32
      %dma_wait3A_449 = arith.constant 0 : i32
      %dma_wait3A_450 = tpu.memref_slice %arg4[%dma_wait3A_448, %dma_wait3A_449] : memref<100000x64xf32, #tpu.memory_space<hbm>> -> memref<208x64xf32, #tpu.memory_space<hbm>>
      tpu.wait_dma2 semaphore(%arg15 : memref<!tpu.dma_semaphore, #tpu.memory_space<semaphore_mem>>) src(%dma_wait3A_450 : memref<208x64xf32, #tpu.memory_space<hbm>>) dst(%arg11 : memref<208x64xf32, #tpu.memory_space<vmem>>)
      %get3A_451 = arith.constant 1 : i32
      %get3A_452 = arith.index_cast %get3A_451 : i32 to index
      %get3A_453 = memref.load %arg9[%get3A_452] : memref<4xi32, #tpu.memory_space<smem>>
      %add3A_454 = arith.addi %mul3A_2, %sub3A_444 : i32
      %mul3A_455 = arith.constant 200 : i32
      %mul3A_456 = arith.muli %add3A_454, %mul3A_455 : i32
      %dma_start3A_457 = arith.constant 0 : i32
      %dma_start3A_458 = tpu.memref_slice %arg11[%get3A_453, %dma_start3A_457] : memref<208x64xf32, #tpu.memory_space<vmem>> -> memref<200x64xf32, #tpu.memory_space<vmem>>
      %dma_start3A_459 = arith.constant 0 : i32
      %dma_start3A_460 = tpu.memref_slice %arg6[%mul3A_456, %dma_start3A_459] : memref<819200x64xf32, #tpu.memory_space<hbm>> -> memref<200x64xf32, #tpu.memory_space<hbm>>
      %dma_start3A_461 = arith.constant 0 : i32
      %dma_start3A_462 = tpu.memref_slice %arg6[%mul3A_456, %dma_start3A_461] : memref<819200x64xf32, #tpu.memory_space<hbm>> -> memref<200x64xf32, #tpu.memory_space<hbm>>
      %dma_start3A_463 = arith.constant 0 : i32
      %dma_start3A_464 = tpu.memref_slice %arg11[%get3A_453, %dma_start3A_463] : memref<208x64xf32, #tpu.memory_space<vmem>> -> memref<200x64xf32, #tpu.memory_space<vmem>>
      tpu.enqueue_dma source(%dma_start3A_464 : memref<200x64xf32, #tpu.memory_space<vmem>>) target(%dma_start3A_462 : memref<200x64xf32, #tpu.memory_space<hbm>>) target_semaphore(%arg19 : memref<!tpu.dma_semaphore, #tpu.memory_space<semaphore_mem>>)
      %mul3A_465 = arith.constant 16 : i32
      %mul3A_466 = arith.muli %scan3A_77, %mul3A_465 : i32
      %add3A_467 = arith.constant 7 : i32
      %add3A_468 = arith.addi %mul3A_466, %add3A_467 : i32
      %dma_wait3A_469 = arith.constant 0 : i32
      %dma_wait3A_470 = arith.constant 0 : i32
      %dma_wait3A_471 = tpu.memref_slice %arg13[%dma_wait3A_469, %dma_wait3A_470] : memref<208x64xf32, #tpu.memory_space<vmem>> -> memref<200x64xf32, #tpu.memory_space<vmem>>
      %dma_wait3A_472 = arith.constant 0 : i32
      %dma_wait3A_473 = arith.constant 0 : i32
      %dma_wait3A_474 = tpu.memref_slice %arg6[%dma_wait3A_472, %dma_wait3A_473] : memref<819200x64xf32, #tpu.memory_space<hbm>> -> memref<200x64xf32, #tpu.memory_space<hbm>>
      %dma_wait3A_475 = arith.constant 0 : i32
      %dma_wait3A_476 = arith.constant 0 : i32
      %dma_wait3A_477 = tpu.memref_slice %arg6[%dma_wait3A_475, %dma_wait3A_476] : memref<819200x64xf32, #tpu.memory_space<hbm>> -> memref<200x64xf32, #tpu.memory_space<hbm>>
      %dma_wait3A_478 = arith.constant 0 : i32
      %dma_wait3A_479 = arith.constant 0 : i32
      %dma_wait3A_480 = tpu.memref_slice %arg13[%dma_wait3A_478, %dma_wait3A_479] : memref<208x64xf32, #tpu.memory_space<vmem>> -> memref<200x64xf32, #tpu.memory_space<vmem>>
      tpu.wait_dma2 semaphore(%arg21 : memref<!tpu.dma_semaphore, #tpu.memory_space<semaphore_mem>>) src(%dma_wait3A_480 : memref<200x64xf32, #tpu.memory_space<vmem>>) dst(%dma_wait3A_477 : memref<200x64xf32, #tpu.memory_space<hbm>>)
      %slice3A_481 = vector.extract_strided_slice %get3A_82 {offsets = [7], sizes = [1], strides = [1]} : vector<16xi32> to vector<1xi32>
      %squeeze3A_482 = vector.extract %slice3A_481[0] : i32 from vector<1xi32>
      %add3A_483 = arith.addi %squeeze3A_482, %squeeze3A : i32
      %ge3A_484 = arith.constant 100000 : i32
      %ge3A_485 = arith.cmpi sge, %add3A_483, %ge3A_484 : i32
      %sub3A_486 = arith.constant 100000 : i32
      %sub3A_487 = arith.subi %add3A_483, %sub3A_486 : i32
      %select_n3A_488 = arith.select %ge3A_485, %sub3A_487, %add3A_483 : i32
      %and3A_489 = arith.constant 7 : i32
      %and3A_490 = arith.andi %select_n3A_488, %and3A_489 : i32
      %swap3A_491 = arith.constant 3 : i32
      %swap3A_492 = arith.index_cast %swap3A_491 : i32 to index
      %swap3A_493 = memref.load %arg9[%swap3A_492] : memref<4xi32, #tpu.memory_space<smem>>
      memref.store %and3A_490, %arg9[%swap3A_492] : memref<4xi32, #tpu.memory_space<smem>>
      %sub3A_494 = arith.subi %select_n3A_488, %and3A_490 : i32
      %gt3A_495 = arith.constant 99792 : i32
      %gt3A_496 = arith.cmpi sgt, %select_n3A_488, %gt3A_495 : i32
      %convert_element_type3A_497 = arith.extui %gt3A_496 : i1 to i32
      %cond3A_498 = arith.constant 0 : i32
      %cond3A_499 = arith.cmpi ne, %convert_element_type3A_497, %cond3A_498 : i32
      scf.if %cond3A_499 {
        %sub3A_1023 = arith.constant 99744 : i32
        %sub3A_1024 = arith.subi %sub3A_494, %sub3A_1023 : i32
        %multiple_of3A = tpu.assume_multiple %sub3A_1024, 8 : i32
        %dma_start3A_1025 = arith.constant 0 : i32
        %dma_start3A_1026 = tpu.memref_slice %arg5[%multiple_of3A, %dma_start3A_1025] : memref<512x64xf32, #tpu.memory_space<hbm>> -> memref<208x64xf32, #tpu.memory_space<hbm>>
        %dma_start3A_1027 = arith.constant 0 : i32
        %dma_start3A_1028 = tpu.memref_slice %arg5[%multiple_of3A, %dma_start3A_1027] : memref<512x64xf32, #tpu.memory_space<hbm>> -> memref<208x64xf32, #tpu.memory_space<hbm>>
        tpu.enqueue_dma source(%dma_start3A_1028 : memref<208x64xf32, #tpu.memory_space<hbm>>) target(%arg13 : memref<208x64xf32, #tpu.memory_space<vmem>>) target_semaphore(%arg17 : memref<!tpu.dma_semaphore, #tpu.memory_space<semaphore_mem>>)
      } else {
      }
      %not3A_500 = arith.constant true
      %not3A_501 = arith.xori %gt3A_496, %not3A_500 : i1
      %convert_element_type3A_502 = arith.extui %not3A_501 : i1 to i32
      %cond3A_503 = arith.constant 0 : i32
      %cond3A_504 = arith.cmpi ne, %convert_element_type3A_502, %cond3A_503 : i32
      scf.if %cond3A_504 {
        %multiple_of3A = tpu.assume_multiple %sub3A_494, 8 : i32
        %dma_start3A_1023 = arith.constant 0 : i32
        %dma_start3A_1024 = tpu.memref_slice %arg4[%multiple_of3A, %dma_start3A_1023] : memref<100000x64xf32, #tpu.memory_space<hbm>> -> memref<208x64xf32, #tpu.memory_space<hbm>>
        %dma_start3A_1025 = arith.constant 0 : i32
        %dma_start3A_1026 = tpu.memref_slice %arg4[%multiple_of3A, %dma_start3A_1025] : memref<100000x64xf32, #tpu.memory_space<hbm>> -> memref<208x64xf32, #tpu.memory_space<hbm>>
        tpu.enqueue_dma source(%dma_start3A_1026 : memref<208x64xf32, #tpu.memory_space<hbm>>) target(%arg13 : memref<208x64xf32, #tpu.memory_space<vmem>>) target_semaphore(%arg17 : memref<!tpu.dma_semaphore, #tpu.memory_space<semaphore_mem>>)
      } else {
      }
      %sub3A_505 = arith.constant 1 : i32
      %sub3A_506 = arith.subi %add3A_468, %sub3A_505 : i32
      %dma_wait3A_507 = arith.constant 0 : i32
      %dma_wait3A_508 = arith.constant 0 : i32
      %dma_wait3A_509 = tpu.memref_slice %arg4[%dma_wait3A_507, %dma_wait3A_508] : memref<100000x64xf32, #tpu.memory_space<hbm>> -> memref<208x64xf32, #tpu.memory_space<hbm>>
      %dma_wait3A_510 = arith.constant 0 : i32
      %dma_wait3A_511 = arith.constant 0 : i32
      %dma_wait3A_512 = tpu.memref_slice %arg4[%dma_wait3A_510, %dma_wait3A_511] : memref<100000x64xf32, #tpu.memory_space<hbm>> -> memref<208x64xf32, #tpu.memory_space<hbm>>
      tpu.wait_dma2 semaphore(%arg16 : memref<!tpu.dma_semaphore, #tpu.memory_space<semaphore_mem>>) src(%dma_wait3A_512 : memref<208x64xf32, #tpu.memory_space<hbm>>) dst(%arg12 : memref<208x64xf32, #tpu.memory_space<vmem>>)
      %get3A_513 = arith.constant 2 : i32
      %get3A_514 = arith.index_cast %get3A_513 : i32 to index
      %get3A_515 = memref.load %arg9[%get3A_514] : memref<4xi32, #tpu.memory_space<smem>>
      %add3A_516 = arith.addi %mul3A_2, %sub3A_506 : i32
      %mul3A_517 = arith.constant 200 : i32
      %mul3A_518 = arith.muli %add3A_516, %mul3A_517 : i32
      %dma_start3A_519 = arith.constant 0 : i32
      %dma_start3A_520 = tpu.memref_slice %arg12[%get3A_515, %dma_start3A_519] : memref<208x64xf32, #tpu.memory_space<vmem>> -> memref<200x64xf32, #tpu.memory_space<vmem>>
      %dma_start3A_521 = arith.constant 0 : i32
      %dma_start3A_522 = tpu.memref_slice %arg6[%mul3A_518, %dma_start3A_521] : memref<819200x64xf32, #tpu.memory_space<hbm>> -> memref<200x64xf32, #tpu.memory_space<hbm>>
      %dma_start3A_523 = arith.constant 0 : i32
      %dma_start3A_524 = tpu.memref_slice %arg6[%mul3A_518, %dma_start3A_523] : memref<819200x64xf32, #tpu.memory_space<hbm>> -> memref<200x64xf32, #tpu.memory_space<hbm>>
      %dma_start3A_525 = arith.constant 0 : i32
      %dma_start3A_526 = tpu.memref_slice %arg12[%get3A_515, %dma_start3A_525] : memref<208x64xf32, #tpu.memory_space<vmem>> -> memref<200x64xf32, #tpu.memory_space<vmem>>
      tpu.enqueue_dma source(%dma_start3A_526 : memref<200x64xf32, #tpu.memory_space<vmem>>) target(%dma_start3A_524 : memref<200x64xf32, #tpu.memory_space<hbm>>) target_semaphore(%arg20 : memref<!tpu.dma_semaphore, #tpu.memory_space<semaphore_mem>>)
      %mul3A_527 = arith.constant 16 : i32
      %mul3A_528 = arith.muli %scan3A_77, %mul3A_527 : i32
      %add3A_529 = arith.constant 8 : i32
      %add3A_530 = arith.addi %mul3A_528, %add3A_529 : i32
      %dma_wait3A_531 = arith.constant 0 : i32
      %dma_wait3A_532 = arith.constant 0 : i32
      %dma_wait3A_533 = tpu.memref_slice %arg10[%dma_wait3A_531, %dma_wait3A_532] : memref<208x64xf32, #tpu.memory_space<vmem>> -> memref<200x64xf32, #tpu.memory_space<vmem>>
      %dma_wait3A_534 = arith.constant 0 : i32
      %dma_wait3A_535 = arith.constant 0 : i32
      %dma_wait3A_536 = tpu.memref_slice %arg6[%dma_wait3A_534, %dma_wait3A_535] : memref<819200x64xf32, #tpu.memory_space<hbm>> -> memref<200x64xf32, #tpu.memory_space<hbm>>
      %dma_wait3A_537 = arith.constant 0 : i32
      %dma_wait3A_538 = arith.constant 0 : i32
      %dma_wait3A_539 = tpu.memref_slice %arg6[%dma_wait3A_537, %dma_wait3A_538] : memref<819200x64xf32, #tpu.memory_space<hbm>> -> memref<200x64xf32, #tpu.memory_space<hbm>>
      %dma_wait3A_540 = arith.constant 0 : i32
      %dma_wait3A_541 = arith.constant 0 : i32
      %dma_wait3A_542 = tpu.memref_slice %arg10[%dma_wait3A_540, %dma_wait3A_541] : memref<208x64xf32, #tpu.memory_space<vmem>> -> memref<200x64xf32, #tpu.memory_space<vmem>>
      tpu.wait_dma2 semaphore(%arg18 : memref<!tpu.dma_semaphore, #tpu.memory_space<semaphore_mem>>) src(%dma_wait3A_542 : memref<200x64xf32, #tpu.memory_space<vmem>>) dst(%dma_wait3A_539 : memref<200x64xf32, #tpu.memory_space<hbm>>)
      %slice3A_543 = vector.extract_strided_slice %get3A_82 {offsets = [8], sizes = [1], strides = [1]} : vector<16xi32> to vector<1xi32>
      %squeeze3A_544 = vector.extract %slice3A_543[0] : i32 from vector<1xi32>
      %add3A_545 = arith.addi %squeeze3A_544, %squeeze3A : i32
      %ge3A_546 = arith.constant 100000 : i32
      %ge3A_547 = arith.cmpi sge, %add3A_545, %ge3A_546 : i32
      %sub3A_548 = arith.constant 100000 : i32
      %sub3A_549 = arith.subi %add3A_545, %sub3A_548 : i32
      %select_n3A_550 = arith.select %ge3A_547, %sub3A_549, %add3A_545 : i32
      %and3A_551 = arith.constant 7 : i32
      %and3A_552 = arith.andi %select_n3A_550, %and3A_551 : i32
      %swap3A_553 = arith.constant 0 : i32
      %swap3A_554 = arith.index_cast %swap3A_553 : i32 to index
      %swap3A_555 = memref.load %arg9[%swap3A_554] : memref<4xi32, #tpu.memory_space<smem>>
      memref.store %and3A_552, %arg9[%swap3A_554] : memref<4xi32, #tpu.memory_space<smem>>
      %sub3A_556 = arith.subi %select_n3A_550, %and3A_552 : i32
      %gt3A_557 = arith.constant 99792 : i32
      %gt3A_558 = arith.cmpi sgt, %select_n3A_550, %gt3A_557 : i32
      %convert_element_type3A_559 = arith.extui %gt3A_558 : i1 to i32
      %cond3A_560 = arith.constant 0 : i32
      %cond3A_561 = arith.cmpi ne, %convert_element_type3A_559, %cond3A_560 : i32
      scf.if %cond3A_561 {
        %sub3A_1023 = arith.constant 99744 : i32
        %sub3A_1024 = arith.subi %sub3A_556, %sub3A_1023 : i32
        %multiple_of3A = tpu.assume_multiple %sub3A_1024, 8 : i32
        %dma_start3A_1025 = arith.constant 0 : i32
        %dma_start3A_1026 = tpu.memref_slice %arg5[%multiple_of3A, %dma_start3A_1025] : memref<512x64xf32, #tpu.memory_space<hbm>> -> memref<208x64xf32, #tpu.memory_space<hbm>>
        %dma_start3A_1027 = arith.constant 0 : i32
        %dma_start3A_1028 = tpu.memref_slice %arg5[%multiple_of3A, %dma_start3A_1027] : memref<512x64xf32, #tpu.memory_space<hbm>> -> memref<208x64xf32, #tpu.memory_space<hbm>>
        tpu.enqueue_dma source(%dma_start3A_1028 : memref<208x64xf32, #tpu.memory_space<hbm>>) target(%arg10 : memref<208x64xf32, #tpu.memory_space<vmem>>) target_semaphore(%arg14 : memref<!tpu.dma_semaphore, #tpu.memory_space<semaphore_mem>>)
      } else {
      }
      %not3A_562 = arith.constant true
      %not3A_563 = arith.xori %gt3A_558, %not3A_562 : i1
      %convert_element_type3A_564 = arith.extui %not3A_563 : i1 to i32
      %cond3A_565 = arith.constant 0 : i32
      %cond3A_566 = arith.cmpi ne, %convert_element_type3A_564, %cond3A_565 : i32
      scf.if %cond3A_566 {
        %multiple_of3A = tpu.assume_multiple %sub3A_556, 8 : i32
        %dma_start3A_1023 = arith.constant 0 : i32
        %dma_start3A_1024 = tpu.memref_slice %arg4[%multiple_of3A, %dma_start3A_1023] : memref<100000x64xf32, #tpu.memory_space<hbm>> -> memref<208x64xf32, #tpu.memory_space<hbm>>
        %dma_start3A_1025 = arith.constant 0 : i32
        %dma_start3A_1026 = tpu.memref_slice %arg4[%multiple_of3A, %dma_start3A_1025] : memref<100000x64xf32, #tpu.memory_space<hbm>> -> memref<208x64xf32, #tpu.memory_space<hbm>>
        tpu.enqueue_dma source(%dma_start3A_1026 : memref<208x64xf32, #tpu.memory_space<hbm>>) target(%arg10 : memref<208x64xf32, #tpu.memory_space<vmem>>) target_semaphore(%arg14 : memref<!tpu.dma_semaphore, #tpu.memory_space<semaphore_mem>>)
      } else {
      }
      %sub3A_567 = arith.constant 1 : i32
      %sub3A_568 = arith.subi %add3A_530, %sub3A_567 : i32
      %dma_wait3A_569 = arith.constant 0 : i32
      %dma_wait3A_570 = arith.constant 0 : i32
      %dma_wait3A_571 = tpu.memref_slice %arg4[%dma_wait3A_569, %dma_wait3A_570] : memref<100000x64xf32, #tpu.memory_space<hbm>> -> memref<208x64xf32, #tpu.memory_space<hbm>>
      %dma_wait3A_572 = arith.constant 0 : i32
      %dma_wait3A_573 = arith.constant 0 : i32
      %dma_wait3A_574 = tpu.memref_slice %arg4[%dma_wait3A_572, %dma_wait3A_573] : memref<100000x64xf32, #tpu.memory_space<hbm>> -> memref<208x64xf32, #tpu.memory_space<hbm>>
      tpu.wait_dma2 semaphore(%arg17 : memref<!tpu.dma_semaphore, #tpu.memory_space<semaphore_mem>>) src(%dma_wait3A_574 : memref<208x64xf32, #tpu.memory_space<hbm>>) dst(%arg13 : memref<208x64xf32, #tpu.memory_space<vmem>>)
      %get3A_575 = arith.constant 3 : i32
      %get3A_576 = arith.index_cast %get3A_575 : i32 to index
      %get3A_577 = memref.load %arg9[%get3A_576] : memref<4xi32, #tpu.memory_space<smem>>
      %add3A_578 = arith.addi %mul3A_2, %sub3A_568 : i32
      %mul3A_579 = arith.constant 200 : i32
      %mul3A_580 = arith.muli %add3A_578, %mul3A_579 : i32
      %dma_start3A_581 = arith.constant 0 : i32
      %dma_start3A_582 = tpu.memref_slice %arg13[%get3A_577, %dma_start3A_581] : memref<208x64xf32, #tpu.memory_space<vmem>> -> memref<200x64xf32, #tpu.memory_space<vmem>>
      %dma_start3A_583 = arith.constant 0 : i32
      %dma_start3A_584 = tpu.memref_slice %arg6[%mul3A_580, %dma_start3A_583] : memref<819200x64xf32, #tpu.memory_space<hbm>> -> memref<200x64xf32, #tpu.memory_space<hbm>>
      %dma_start3A_585 = arith.constant 0 : i32
      %dma_start3A_586 = tpu.memref_slice %arg6[%mul3A_580, %dma_start3A_585] : memref<819200x64xf32, #tpu.memory_space<hbm>> -> memref<200x64xf32, #tpu.memory_space<hbm>>
      %dma_start3A_587 = arith.constant 0 : i32
      %dma_start3A_588 = tpu.memref_slice %arg13[%get3A_577, %dma_start3A_587] : memref<208x64xf32, #tpu.memory_space<vmem>> -> memref<200x64xf32, #tpu.memory_space<vmem>>
      tpu.enqueue_dma source(%dma_start3A_588 : memref<200x64xf32, #tpu.memory_space<vmem>>) target(%dma_start3A_586 : memref<200x64xf32, #tpu.memory_space<hbm>>) target_semaphore(%arg21 : memref<!tpu.dma_semaphore, #tpu.memory_space<semaphore_mem>>)
      %mul3A_589 = arith.constant 16 : i32
      %mul3A_590 = arith.muli %scan3A_77, %mul3A_589 : i32
      %add3A_591 = arith.constant 9 : i32
      %add3A_592 = arith.addi %mul3A_590, %add3A_591 : i32
      %dma_wait3A_593 = arith.constant 0 : i32
      %dma_wait3A_594 = arith.constant 0 : i32
      %dma_wait3A_595 = tpu.memref_slice %arg11[%dma_wait3A_593, %dma_wait3A_594] : memref<208x64xf32, #tpu.memory_space<vmem>> -> memref<200x64xf32, #tpu.memory_space<vmem>>
      %dma_wait3A_596 = arith.constant 0 : i32
      %dma_wait3A_597 = arith.constant 0 : i32
      %dma_wait3A_598 = tpu.memref_slice %arg6[%dma_wait3A_596, %dma_wait3A_597] : memref<819200x64xf32, #tpu.memory_space<hbm>> -> memref<200x64xf32, #tpu.memory_space<hbm>>
      %dma_wait3A_599 = arith.constant 0 : i32
      %dma_wait3A_600 = arith.constant 0 : i32
      %dma_wait3A_601 = tpu.memref_slice %arg6[%dma_wait3A_599, %dma_wait3A_600] : memref<819200x64xf32, #tpu.memory_space<hbm>> -> memref<200x64xf32, #tpu.memory_space<hbm>>
      %dma_wait3A_602 = arith.constant 0 : i32
      %dma_wait3A_603 = arith.constant 0 : i32
      %dma_wait3A_604 = tpu.memref_slice %arg11[%dma_wait3A_602, %dma_wait3A_603] : memref<208x64xf32, #tpu.memory_space<vmem>> -> memref<200x64xf32, #tpu.memory_space<vmem>>
      tpu.wait_dma2 semaphore(%arg19 : memref<!tpu.dma_semaphore, #tpu.memory_space<semaphore_mem>>) src(%dma_wait3A_604 : memref<200x64xf32, #tpu.memory_space<vmem>>) dst(%dma_wait3A_601 : memref<200x64xf32, #tpu.memory_space<hbm>>)
      %slice3A_605 = vector.extract_strided_slice %get3A_82 {offsets = [9], sizes = [1], strides = [1]} : vector<16xi32> to vector<1xi32>
      %squeeze3A_606 = vector.extract %slice3A_605[0] : i32 from vector<1xi32>
      %add3A_607 = arith.addi %squeeze3A_606, %squeeze3A : i32
      %ge3A_608 = arith.constant 100000 : i32
      %ge3A_609 = arith.cmpi sge, %add3A_607, %ge3A_608 : i32
      %sub3A_610 = arith.constant 100000 : i32
      %sub3A_611 = arith.subi %add3A_607, %sub3A_610 : i32
      %select_n3A_612 = arith.select %ge3A_609, %sub3A_611, %add3A_607 : i32
      %and3A_613 = arith.constant 7 : i32
      %and3A_614 = arith.andi %select_n3A_612, %and3A_613 : i32
      %swap3A_615 = arith.constant 1 : i32
      %swap3A_616 = arith.index_cast %swap3A_615 : i32 to index
      %swap3A_617 = memref.load %arg9[%swap3A_616] : memref<4xi32, #tpu.memory_space<smem>>
      memref.store %and3A_614, %arg9[%swap3A_616] : memref<4xi32, #tpu.memory_space<smem>>
      %sub3A_618 = arith.subi %select_n3A_612, %and3A_614 : i32
      %gt3A_619 = arith.constant 99792 : i32
      %gt3A_620 = arith.cmpi sgt, %select_n3A_612, %gt3A_619 : i32
      %convert_element_type3A_621 = arith.extui %gt3A_620 : i1 to i32
      %cond3A_622 = arith.constant 0 : i32
      %cond3A_623 = arith.cmpi ne, %convert_element_type3A_621, %cond3A_622 : i32
      scf.if %cond3A_623 {
        %sub3A_1023 = arith.constant 99744 : i32
        %sub3A_1024 = arith.subi %sub3A_618, %sub3A_1023 : i32
        %multiple_of3A = tpu.assume_multiple %sub3A_1024, 8 : i32
        %dma_start3A_1025 = arith.constant 0 : i32
        %dma_start3A_1026 = tpu.memref_slice %arg5[%multiple_of3A, %dma_start3A_1025] : memref<512x64xf32, #tpu.memory_space<hbm>> -> memref<208x64xf32, #tpu.memory_space<hbm>>
        %dma_start3A_1027 = arith.constant 0 : i32
        %dma_start3A_1028 = tpu.memref_slice %arg5[%multiple_of3A, %dma_start3A_1027] : memref<512x64xf32, #tpu.memory_space<hbm>> -> memref<208x64xf32, #tpu.memory_space<hbm>>
        tpu.enqueue_dma source(%dma_start3A_1028 : memref<208x64xf32, #tpu.memory_space<hbm>>) target(%arg11 : memref<208x64xf32, #tpu.memory_space<vmem>>) target_semaphore(%arg15 : memref<!tpu.dma_semaphore, #tpu.memory_space<semaphore_mem>>)
      } else {
      }
      %not3A_624 = arith.constant true
      %not3A_625 = arith.xori %gt3A_620, %not3A_624 : i1
      %convert_element_type3A_626 = arith.extui %not3A_625 : i1 to i32
      %cond3A_627 = arith.constant 0 : i32
      %cond3A_628 = arith.cmpi ne, %convert_element_type3A_626, %cond3A_627 : i32
      scf.if %cond3A_628 {
        %multiple_of3A = tpu.assume_multiple %sub3A_618, 8 : i32
        %dma_start3A_1023 = arith.constant 0 : i32
        %dma_start3A_1024 = tpu.memref_slice %arg4[%multiple_of3A, %dma_start3A_1023] : memref<100000x64xf32, #tpu.memory_space<hbm>> -> memref<208x64xf32, #tpu.memory_space<hbm>>
        %dma_start3A_1025 = arith.constant 0 : i32
        %dma_start3A_1026 = tpu.memref_slice %arg4[%multiple_of3A, %dma_start3A_1025] : memref<100000x64xf32, #tpu.memory_space<hbm>> -> memref<208x64xf32, #tpu.memory_space<hbm>>
        tpu.enqueue_dma source(%dma_start3A_1026 : memref<208x64xf32, #tpu.memory_space<hbm>>) target(%arg11 : memref<208x64xf32, #tpu.memory_space<vmem>>) target_semaphore(%arg15 : memref<!tpu.dma_semaphore, #tpu.memory_space<semaphore_mem>>)
      } else {
      }
      %sub3A_629 = arith.constant 1 : i32
      %sub3A_630 = arith.subi %add3A_592, %sub3A_629 : i32
      %dma_wait3A_631 = arith.constant 0 : i32
      %dma_wait3A_632 = arith.constant 0 : i32
      %dma_wait3A_633 = tpu.memref_slice %arg4[%dma_wait3A_631, %dma_wait3A_632] : memref<100000x64xf32, #tpu.memory_space<hbm>> -> memref<208x64xf32, #tpu.memory_space<hbm>>
      %dma_wait3A_634 = arith.constant 0 : i32
      %dma_wait3A_635 = arith.constant 0 : i32
      %dma_wait3A_636 = tpu.memref_slice %arg4[%dma_wait3A_634, %dma_wait3A_635] : memref<100000x64xf32, #tpu.memory_space<hbm>> -> memref<208x64xf32, #tpu.memory_space<hbm>>
      tpu.wait_dma2 semaphore(%arg14 : memref<!tpu.dma_semaphore, #tpu.memory_space<semaphore_mem>>) src(%dma_wait3A_636 : memref<208x64xf32, #tpu.memory_space<hbm>>) dst(%arg10 : memref<208x64xf32, #tpu.memory_space<vmem>>)
      %get3A_637 = arith.constant 0 : i32
      %get3A_638 = arith.index_cast %get3A_637 : i32 to index
      %get3A_639 = memref.load %arg9[%get3A_638] : memref<4xi32, #tpu.memory_space<smem>>
      %add3A_640 = arith.addi %mul3A_2, %sub3A_630 : i32
      %mul3A_641 = arith.constant 200 : i32
      %mul3A_642 = arith.muli %add3A_640, %mul3A_641 : i32
      %dma_start3A_643 = arith.constant 0 : i32
      %dma_start3A_644 = tpu.memref_slice %arg10[%get3A_639, %dma_start3A_643] : memref<208x64xf32, #tpu.memory_space<vmem>> -> memref<200x64xf32, #tpu.memory_space<vmem>>
      %dma_start3A_645 = arith.constant 0 : i32
      %dma_start3A_646 = tpu.memref_slice %arg6[%mul3A_642, %dma_start3A_645] : memref<819200x64xf32, #tpu.memory_space<hbm>> -> memref<200x64xf32, #tpu.memory_space<hbm>>
      %dma_start3A_647 = arith.constant 0 : i32
      %dma_start3A_648 = tpu.memref_slice %arg6[%mul3A_642, %dma_start3A_647] : memref<819200x64xf32, #tpu.memory_space<hbm>> -> memref<200x64xf32, #tpu.memory_space<hbm>>
      %dma_start3A_649 = arith.constant 0 : i32
      %dma_start3A_650 = tpu.memref_slice %arg10[%get3A_639, %dma_start3A_649] : memref<208x64xf32, #tpu.memory_space<vmem>> -> memref<200x64xf32, #tpu.memory_space<vmem>>
      tpu.enqueue_dma source(%dma_start3A_650 : memref<200x64xf32, #tpu.memory_space<vmem>>) target(%dma_start3A_648 : memref<200x64xf32, #tpu.memory_space<hbm>>) target_semaphore(%arg18 : memref<!tpu.dma_semaphore, #tpu.memory_space<semaphore_mem>>)
      %mul3A_651 = arith.constant 16 : i32
      %mul3A_652 = arith.muli %scan3A_77, %mul3A_651 : i32
      %add3A_653 = arith.constant 10 : i32
      %add3A_654 = arith.addi %mul3A_652, %add3A_653 : i32
      %dma_wait3A_655 = arith.constant 0 : i32
      %dma_wait3A_656 = arith.constant 0 : i32
      %dma_wait3A_657 = tpu.memref_slice %arg12[%dma_wait3A_655, %dma_wait3A_656] : memref<208x64xf32, #tpu.memory_space<vmem>> -> memref<200x64xf32, #tpu.memory_space<vmem>>
      %dma_wait3A_658 = arith.constant 0 : i32
      %dma_wait3A_659 = arith.constant 0 : i32
      %dma_wait3A_660 = tpu.memref_slice %arg6[%dma_wait3A_658, %dma_wait3A_659] : memref<819200x64xf32, #tpu.memory_space<hbm>> -> memref<200x64xf32, #tpu.memory_space<hbm>>
      %dma_wait3A_661 = arith.constant 0 : i32
      %dma_wait3A_662 = arith.constant 0 : i32
      %dma_wait3A_663 = tpu.memref_slice %arg6[%dma_wait3A_661, %dma_wait3A_662] : memref<819200x64xf32, #tpu.memory_space<hbm>> -> memref<200x64xf32, #tpu.memory_space<hbm>>
      %dma_wait3A_664 = arith.constant 0 : i32
      %dma_wait3A_665 = arith.constant 0 : i32
      %dma_wait3A_666 = tpu.memref_slice %arg12[%dma_wait3A_664, %dma_wait3A_665] : memref<208x64xf32, #tpu.memory_space<vmem>> -> memref<200x64xf32, #tpu.memory_space<vmem>>
      tpu.wait_dma2 semaphore(%arg20 : memref<!tpu.dma_semaphore, #tpu.memory_space<semaphore_mem>>) src(%dma_wait3A_666 : memref<200x64xf32, #tpu.memory_space<vmem>>) dst(%dma_wait3A_663 : memref<200x64xf32, #tpu.memory_space<hbm>>)
      %slice3A_667 = vector.extract_strided_slice %get3A_82 {offsets = [10], sizes = [1], strides = [1]} : vector<16xi32> to vector<1xi32>
      %squeeze3A_668 = vector.extract %slice3A_667[0] : i32 from vector<1xi32>
      %add3A_669 = arith.addi %squeeze3A_668, %squeeze3A : i32
      %ge3A_670 = arith.constant 100000 : i32
      %ge3A_671 = arith.cmpi sge, %add3A_669, %ge3A_670 : i32
      %sub3A_672 = arith.constant 100000 : i32
      %sub3A_673 = arith.subi %add3A_669, %sub3A_672 : i32
      %select_n3A_674 = arith.select %ge3A_671, %sub3A_673, %add3A_669 : i32
      %and3A_675 = arith.constant 7 : i32
      %and3A_676 = arith.andi %select_n3A_674, %and3A_675 : i32
      %swap3A_677 = arith.constant 2 : i32
      %swap3A_678 = arith.index_cast %swap3A_677 : i32 to index
      %swap3A_679 = memref.load %arg9[%swap3A_678] : memref<4xi32, #tpu.memory_space<smem>>
      memref.store %and3A_676, %arg9[%swap3A_678] : memref<4xi32, #tpu.memory_space<smem>>
      %sub3A_680 = arith.subi %select_n3A_674, %and3A_676 : i32
      %gt3A_681 = arith.constant 99792 : i32
      %gt3A_682 = arith.cmpi sgt, %select_n3A_674, %gt3A_681 : i32
      %convert_element_type3A_683 = arith.extui %gt3A_682 : i1 to i32
      %cond3A_684 = arith.constant 0 : i32
      %cond3A_685 = arith.cmpi ne, %convert_element_type3A_683, %cond3A_684 : i32
      scf.if %cond3A_685 {
        %sub3A_1023 = arith.constant 99744 : i32
        %sub3A_1024 = arith.subi %sub3A_680, %sub3A_1023 : i32
        %multiple_of3A = tpu.assume_multiple %sub3A_1024, 8 : i32
        %dma_start3A_1025 = arith.constant 0 : i32
        %dma_start3A_1026 = tpu.memref_slice %arg5[%multiple_of3A, %dma_start3A_1025] : memref<512x64xf32, #tpu.memory_space<hbm>> -> memref<208x64xf32, #tpu.memory_space<hbm>>
        %dma_start3A_1027 = arith.constant 0 : i32
        %dma_start3A_1028 = tpu.memref_slice %arg5[%multiple_of3A, %dma_start3A_1027] : memref<512x64xf32, #tpu.memory_space<hbm>> -> memref<208x64xf32, #tpu.memory_space<hbm>>
        tpu.enqueue_dma source(%dma_start3A_1028 : memref<208x64xf32, #tpu.memory_space<hbm>>) target(%arg12 : memref<208x64xf32, #tpu.memory_space<vmem>>) target_semaphore(%arg16 : memref<!tpu.dma_semaphore, #tpu.memory_space<semaphore_mem>>)
      } else {
      }
      %not3A_686 = arith.constant true
      %not3A_687 = arith.xori %gt3A_682, %not3A_686 : i1
      %convert_element_type3A_688 = arith.extui %not3A_687 : i1 to i32
      %cond3A_689 = arith.constant 0 : i32
      %cond3A_690 = arith.cmpi ne, %convert_element_type3A_688, %cond3A_689 : i32
      scf.if %cond3A_690 {
        %multiple_of3A = tpu.assume_multiple %sub3A_680, 8 : i32
        %dma_start3A_1023 = arith.constant 0 : i32
        %dma_start3A_1024 = tpu.memref_slice %arg4[%multiple_of3A, %dma_start3A_1023] : memref<100000x64xf32, #tpu.memory_space<hbm>> -> memref<208x64xf32, #tpu.memory_space<hbm>>
        %dma_start3A_1025 = arith.constant 0 : i32
        %dma_start3A_1026 = tpu.memref_slice %arg4[%multiple_of3A, %dma_start3A_1025] : memref<100000x64xf32, #tpu.memory_space<hbm>> -> memref<208x64xf32, #tpu.memory_space<hbm>>
        tpu.enqueue_dma source(%dma_start3A_1026 : memref<208x64xf32, #tpu.memory_space<hbm>>) target(%arg12 : memref<208x64xf32, #tpu.memory_space<vmem>>) target_semaphore(%arg16 : memref<!tpu.dma_semaphore, #tpu.memory_space<semaphore_mem>>)
      } else {
      }
      %sub3A_691 = arith.constant 1 : i32
      %sub3A_692 = arith.subi %add3A_654, %sub3A_691 : i32
      %dma_wait3A_693 = arith.constant 0 : i32
      %dma_wait3A_694 = arith.constant 0 : i32
      %dma_wait3A_695 = tpu.memref_slice %arg4[%dma_wait3A_693, %dma_wait3A_694] : memref<100000x64xf32, #tpu.memory_space<hbm>> -> memref<208x64xf32, #tpu.memory_space<hbm>>
      %dma_wait3A_696 = arith.constant 0 : i32
      %dma_wait3A_697 = arith.constant 0 : i32
      %dma_wait3A_698 = tpu.memref_slice %arg4[%dma_wait3A_696, %dma_wait3A_697] : memref<100000x64xf32, #tpu.memory_space<hbm>> -> memref<208x64xf32, #tpu.memory_space<hbm>>
      tpu.wait_dma2 semaphore(%arg15 : memref<!tpu.dma_semaphore, #tpu.memory_space<semaphore_mem>>) src(%dma_wait3A_698 : memref<208x64xf32, #tpu.memory_space<hbm>>) dst(%arg11 : memref<208x64xf32, #tpu.memory_space<vmem>>)
      %get3A_699 = arith.constant 1 : i32
      %get3A_700 = arith.index_cast %get3A_699 : i32 to index
      %get3A_701 = memref.load %arg9[%get3A_700] : memref<4xi32, #tpu.memory_space<smem>>
      %add3A_702 = arith.addi %mul3A_2, %sub3A_692 : i32
      %mul3A_703 = arith.constant 200 : i32
      %mul3A_704 = arith.muli %add3A_702, %mul3A_703 : i32
      %dma_start3A_705 = arith.constant 0 : i32
      %dma_start3A_706 = tpu.memref_slice %arg11[%get3A_701, %dma_start3A_705] : memref<208x64xf32, #tpu.memory_space<vmem>> -> memref<200x64xf32, #tpu.memory_space<vmem>>
      %dma_start3A_707 = arith.constant 0 : i32
      %dma_start3A_708 = tpu.memref_slice %arg6[%mul3A_704, %dma_start3A_707] : memref<819200x64xf32, #tpu.memory_space<hbm>> -> memref<200x64xf32, #tpu.memory_space<hbm>>
      %dma_start3A_709 = arith.constant 0 : i32
      %dma_start3A_710 = tpu.memref_slice %arg6[%mul3A_704, %dma_start3A_709] : memref<819200x64xf32, #tpu.memory_space<hbm>> -> memref<200x64xf32, #tpu.memory_space<hbm>>
      %dma_start3A_711 = arith.constant 0 : i32
      %dma_start3A_712 = tpu.memref_slice %arg11[%get3A_701, %dma_start3A_711] : memref<208x64xf32, #tpu.memory_space<vmem>> -> memref<200x64xf32, #tpu.memory_space<vmem>>
      tpu.enqueue_dma source(%dma_start3A_712 : memref<200x64xf32, #tpu.memory_space<vmem>>) target(%dma_start3A_710 : memref<200x64xf32, #tpu.memory_space<hbm>>) target_semaphore(%arg19 : memref<!tpu.dma_semaphore, #tpu.memory_space<semaphore_mem>>)
      %mul3A_713 = arith.constant 16 : i32
      %mul3A_714 = arith.muli %scan3A_77, %mul3A_713 : i32
      %add3A_715 = arith.constant 11 : i32
      %add3A_716 = arith.addi %mul3A_714, %add3A_715 : i32
      %dma_wait3A_717 = arith.constant 0 : i32
      %dma_wait3A_718 = arith.constant 0 : i32
      %dma_wait3A_719 = tpu.memref_slice %arg13[%dma_wait3A_717, %dma_wait3A_718] : memref<208x64xf32, #tpu.memory_space<vmem>> -> memref<200x64xf32, #tpu.memory_space<vmem>>
      %dma_wait3A_720 = arith.constant 0 : i32
      %dma_wait3A_721 = arith.constant 0 : i32
      %dma_wait3A_722 = tpu.memref_slice %arg6[%dma_wait3A_720, %dma_wait3A_721] : memref<819200x64xf32, #tpu.memory_space<hbm>> -> memref<200x64xf32, #tpu.memory_space<hbm>>
      %dma_wait3A_723 = arith.constant 0 : i32
      %dma_wait3A_724 = arith.constant 0 : i32
      %dma_wait3A_725 = tpu.memref_slice %arg6[%dma_wait3A_723, %dma_wait3A_724] : memref<819200x64xf32, #tpu.memory_space<hbm>> -> memref<200x64xf32, #tpu.memory_space<hbm>>
      %dma_wait3A_726 = arith.constant 0 : i32
      %dma_wait3A_727 = arith.constant 0 : i32
      %dma_wait3A_728 = tpu.memref_slice %arg13[%dma_wait3A_726, %dma_wait3A_727] : memref<208x64xf32, #tpu.memory_space<vmem>> -> memref<200x64xf32, #tpu.memory_space<vmem>>
      tpu.wait_dma2 semaphore(%arg21 : memref<!tpu.dma_semaphore, #tpu.memory_space<semaphore_mem>>) src(%dma_wait3A_728 : memref<200x64xf32, #tpu.memory_space<vmem>>) dst(%dma_wait3A_725 : memref<200x64xf32, #tpu.memory_space<hbm>>)
      %slice3A_729 = vector.extract_strided_slice %get3A_82 {offsets = [11], sizes = [1], strides = [1]} : vector<16xi32> to vector<1xi32>
      %squeeze3A_730 = vector.extract %slice3A_729[0] : i32 from vector<1xi32>
      %add3A_731 = arith.addi %squeeze3A_730, %squeeze3A : i32
      %ge3A_732 = arith.constant 100000 : i32
      %ge3A_733 = arith.cmpi sge, %add3A_731, %ge3A_732 : i32
      %sub3A_734 = arith.constant 100000 : i32
      %sub3A_735 = arith.subi %add3A_731, %sub3A_734 : i32
      %select_n3A_736 = arith.select %ge3A_733, %sub3A_735, %add3A_731 : i32
      %and3A_737 = arith.constant 7 : i32
      %and3A_738 = arith.andi %select_n3A_736, %and3A_737 : i32
      %swap3A_739 = arith.constant 3 : i32
      %swap3A_740 = arith.index_cast %swap3A_739 : i32 to index
      %swap3A_741 = memref.load %arg9[%swap3A_740] : memref<4xi32, #tpu.memory_space<smem>>
      memref.store %and3A_738, %arg9[%swap3A_740] : memref<4xi32, #tpu.memory_space<smem>>
      %sub3A_742 = arith.subi %select_n3A_736, %and3A_738 : i32
      %gt3A_743 = arith.constant 99792 : i32
      %gt3A_744 = arith.cmpi sgt, %select_n3A_736, %gt3A_743 : i32
      %convert_element_type3A_745 = arith.extui %gt3A_744 : i1 to i32
      %cond3A_746 = arith.constant 0 : i32
      %cond3A_747 = arith.cmpi ne, %convert_element_type3A_745, %cond3A_746 : i32
      scf.if %cond3A_747 {
        %sub3A_1023 = arith.constant 99744 : i32
        %sub3A_1024 = arith.subi %sub3A_742, %sub3A_1023 : i32
        %multiple_of3A = tpu.assume_multiple %sub3A_1024, 8 : i32
        %dma_start3A_1025 = arith.constant 0 : i32
        %dma_start3A_1026 = tpu.memref_slice %arg5[%multiple_of3A, %dma_start3A_1025] : memref<512x64xf32, #tpu.memory_space<hbm>> -> memref<208x64xf32, #tpu.memory_space<hbm>>
        %dma_start3A_1027 = arith.constant 0 : i32
        %dma_start3A_1028 = tpu.memref_slice %arg5[%multiple_of3A, %dma_start3A_1027] : memref<512x64xf32, #tpu.memory_space<hbm>> -> memref<208x64xf32, #tpu.memory_space<hbm>>
        tpu.enqueue_dma source(%dma_start3A_1028 : memref<208x64xf32, #tpu.memory_space<hbm>>) target(%arg13 : memref<208x64xf32, #tpu.memory_space<vmem>>) target_semaphore(%arg17 : memref<!tpu.dma_semaphore, #tpu.memory_space<semaphore_mem>>)
      } else {
      }
      %not3A_748 = arith.constant true
      %not3A_749 = arith.xori %gt3A_744, %not3A_748 : i1
      %convert_element_type3A_750 = arith.extui %not3A_749 : i1 to i32
      %cond3A_751 = arith.constant 0 : i32
      %cond3A_752 = arith.cmpi ne, %convert_element_type3A_750, %cond3A_751 : i32
      scf.if %cond3A_752 {
        %multiple_of3A = tpu.assume_multiple %sub3A_742, 8 : i32
        %dma_start3A_1023 = arith.constant 0 : i32
        %dma_start3A_1024 = tpu.memref_slice %arg4[%multiple_of3A, %dma_start3A_1023] : memref<100000x64xf32, #tpu.memory_space<hbm>> -> memref<208x64xf32, #tpu.memory_space<hbm>>
        %dma_start3A_1025 = arith.constant 0 : i32
        %dma_start3A_1026 = tpu.memref_slice %arg4[%multiple_of3A, %dma_start3A_1025] : memref<100000x64xf32, #tpu.memory_space<hbm>> -> memref<208x64xf32, #tpu.memory_space<hbm>>
        tpu.enqueue_dma source(%dma_start3A_1026 : memref<208x64xf32, #tpu.memory_space<hbm>>) target(%arg13 : memref<208x64xf32, #tpu.memory_space<vmem>>) target_semaphore(%arg17 : memref<!tpu.dma_semaphore, #tpu.memory_space<semaphore_mem>>)
      } else {
      }
      %sub3A_753 = arith.constant 1 : i32
      %sub3A_754 = arith.subi %add3A_716, %sub3A_753 : i32
      %dma_wait3A_755 = arith.constant 0 : i32
      %dma_wait3A_756 = arith.constant 0 : i32
      %dma_wait3A_757 = tpu.memref_slice %arg4[%dma_wait3A_755, %dma_wait3A_756] : memref<100000x64xf32, #tpu.memory_space<hbm>> -> memref<208x64xf32, #tpu.memory_space<hbm>>
      %dma_wait3A_758 = arith.constant 0 : i32
      %dma_wait3A_759 = arith.constant 0 : i32
      %dma_wait3A_760 = tpu.memref_slice %arg4[%dma_wait3A_758, %dma_wait3A_759] : memref<100000x64xf32, #tpu.memory_space<hbm>> -> memref<208x64xf32, #tpu.memory_space<hbm>>
      tpu.wait_dma2 semaphore(%arg16 : memref<!tpu.dma_semaphore, #tpu.memory_space<semaphore_mem>>) src(%dma_wait3A_760 : memref<208x64xf32, #tpu.memory_space<hbm>>) dst(%arg12 : memref<208x64xf32, #tpu.memory_space<vmem>>)
      %get3A_761 = arith.constant 2 : i32
      %get3A_762 = arith.index_cast %get3A_761 : i32 to index
      %get3A_763 = memref.load %arg9[%get3A_762] : memref<4xi32, #tpu.memory_space<smem>>
      %add3A_764 = arith.addi %mul3A_2, %sub3A_754 : i32
      %mul3A_765 = arith.constant 200 : i32
      %mul3A_766 = arith.muli %add3A_764, %mul3A_765 : i32
      %dma_start3A_767 = arith.constant 0 : i32
      %dma_start3A_768 = tpu.memref_slice %arg12[%get3A_763, %dma_start3A_767] : memref<208x64xf32, #tpu.memory_space<vmem>> -> memref<200x64xf32, #tpu.memory_space<vmem>>
      %dma_start3A_769 = arith.constant 0 : i32
      %dma_start3A_770 = tpu.memref_slice %arg6[%mul3A_766, %dma_start3A_769] : memref<819200x64xf32, #tpu.memory_space<hbm>> -> memref<200x64xf32, #tpu.memory_space<hbm>>
      %dma_start3A_771 = arith.constant 0 : i32
      %dma_start3A_772 = tpu.memref_slice %arg6[%mul3A_766, %dma_start3A_771] : memref<819200x64xf32, #tpu.memory_space<hbm>> -> memref<200x64xf32, #tpu.memory_space<hbm>>
      %dma_start3A_773 = arith.constant 0 : i32
      %dma_start3A_774 = tpu.memref_slice %arg12[%get3A_763, %dma_start3A_773] : memref<208x64xf32, #tpu.memory_space<vmem>> -> memref<200x64xf32, #tpu.memory_space<vmem>>
      tpu.enqueue_dma source(%dma_start3A_774 : memref<200x64xf32, #tpu.memory_space<vmem>>) target(%dma_start3A_772 : memref<200x64xf32, #tpu.memory_space<hbm>>) target_semaphore(%arg20 : memref<!tpu.dma_semaphore, #tpu.memory_space<semaphore_mem>>)
      %mul3A_775 = arith.constant 16 : i32
      %mul3A_776 = arith.muli %scan3A_77, %mul3A_775 : i32
      %add3A_777 = arith.constant 12 : i32
      %add3A_778 = arith.addi %mul3A_776, %add3A_777 : i32
      %dma_wait3A_779 = arith.constant 0 : i32
      %dma_wait3A_780 = arith.constant 0 : i32
      %dma_wait3A_781 = tpu.memref_slice %arg10[%dma_wait3A_779, %dma_wait3A_780] : memref<208x64xf32, #tpu.memory_space<vmem>> -> memref<200x64xf32, #tpu.memory_space<vmem>>
      %dma_wait3A_782 = arith.constant 0 : i32
      %dma_wait3A_783 = arith.constant 0 : i32
      %dma_wait3A_784 = tpu.memref_slice %arg6[%dma_wait3A_782, %dma_wait3A_783] : memref<819200x64xf32, #tpu.memory_space<hbm>> -> memref<200x64xf32, #tpu.memory_space<hbm>>
      %dma_wait3A_785 = arith.constant 0 : i32
      %dma_wait3A_786 = arith.constant 0 : i32
      %dma_wait3A_787 = tpu.memref_slice %arg6[%dma_wait3A_785, %dma_wait3A_786] : memref<819200x64xf32, #tpu.memory_space<hbm>> -> memref<200x64xf32, #tpu.memory_space<hbm>>
      %dma_wait3A_788 = arith.constant 0 : i32
      %dma_wait3A_789 = arith.constant 0 : i32
      %dma_wait3A_790 = tpu.memref_slice %arg10[%dma_wait3A_788, %dma_wait3A_789] : memref<208x64xf32, #tpu.memory_space<vmem>> -> memref<200x64xf32, #tpu.memory_space<vmem>>
      tpu.wait_dma2 semaphore(%arg18 : memref<!tpu.dma_semaphore, #tpu.memory_space<semaphore_mem>>) src(%dma_wait3A_790 : memref<200x64xf32, #tpu.memory_space<vmem>>) dst(%dma_wait3A_787 : memref<200x64xf32, #tpu.memory_space<hbm>>)
      %slice3A_791 = vector.extract_strided_slice %get3A_82 {offsets = [12], sizes = [1], strides = [1]} : vector<16xi32> to vector<1xi32>
      %squeeze3A_792 = vector.extract %slice3A_791[0] : i32 from vector<1xi32>
      %add3A_793 = arith.addi %squeeze3A_792, %squeeze3A : i32
      %ge3A_794 = arith.constant 100000 : i32
      %ge3A_795 = arith.cmpi sge, %add3A_793, %ge3A_794 : i32
      %sub3A_796 = arith.constant 100000 : i32
      %sub3A_797 = arith.subi %add3A_793, %sub3A_796 : i32
      %select_n3A_798 = arith.select %ge3A_795, %sub3A_797, %add3A_793 : i32
      %and3A_799 = arith.constant 7 : i32
      %and3A_800 = arith.andi %select_n3A_798, %and3A_799 : i32
      %swap3A_801 = arith.constant 0 : i32
      %swap3A_802 = arith.index_cast %swap3A_801 : i32 to index
      %swap3A_803 = memref.load %arg9[%swap3A_802] : memref<4xi32, #tpu.memory_space<smem>>
      memref.store %and3A_800, %arg9[%swap3A_802] : memref<4xi32, #tpu.memory_space<smem>>
      %sub3A_804 = arith.subi %select_n3A_798, %and3A_800 : i32
      %gt3A_805 = arith.constant 99792 : i32
      %gt3A_806 = arith.cmpi sgt, %select_n3A_798, %gt3A_805 : i32
      %convert_element_type3A_807 = arith.extui %gt3A_806 : i1 to i32
      %cond3A_808 = arith.constant 0 : i32
      %cond3A_809 = arith.cmpi ne, %convert_element_type3A_807, %cond3A_808 : i32
      scf.if %cond3A_809 {
        %sub3A_1023 = arith.constant 99744 : i32
        %sub3A_1024 = arith.subi %sub3A_804, %sub3A_1023 : i32
        %multiple_of3A = tpu.assume_multiple %sub3A_1024, 8 : i32
        %dma_start3A_1025 = arith.constant 0 : i32
        %dma_start3A_1026 = tpu.memref_slice %arg5[%multiple_of3A, %dma_start3A_1025] : memref<512x64xf32, #tpu.memory_space<hbm>> -> memref<208x64xf32, #tpu.memory_space<hbm>>
        %dma_start3A_1027 = arith.constant 0 : i32
        %dma_start3A_1028 = tpu.memref_slice %arg5[%multiple_of3A, %dma_start3A_1027] : memref<512x64xf32, #tpu.memory_space<hbm>> -> memref<208x64xf32, #tpu.memory_space<hbm>>
        tpu.enqueue_dma source(%dma_start3A_1028 : memref<208x64xf32, #tpu.memory_space<hbm>>) target(%arg10 : memref<208x64xf32, #tpu.memory_space<vmem>>) target_semaphore(%arg14 : memref<!tpu.dma_semaphore, #tpu.memory_space<semaphore_mem>>)
      } else {
      }
      %not3A_810 = arith.constant true
      %not3A_811 = arith.xori %gt3A_806, %not3A_810 : i1
      %convert_element_type3A_812 = arith.extui %not3A_811 : i1 to i32
      %cond3A_813 = arith.constant 0 : i32
      %cond3A_814 = arith.cmpi ne, %convert_element_type3A_812, %cond3A_813 : i32
      scf.if %cond3A_814 {
        %multiple_of3A = tpu.assume_multiple %sub3A_804, 8 : i32
        %dma_start3A_1023 = arith.constant 0 : i32
        %dma_start3A_1024 = tpu.memref_slice %arg4[%multiple_of3A, %dma_start3A_1023] : memref<100000x64xf32, #tpu.memory_space<hbm>> -> memref<208x64xf32, #tpu.memory_space<hbm>>
        %dma_start3A_1025 = arith.constant 0 : i32
        %dma_start3A_1026 = tpu.memref_slice %arg4[%multiple_of3A, %dma_start3A_1025] : memref<100000x64xf32, #tpu.memory_space<hbm>> -> memref<208x64xf32, #tpu.memory_space<hbm>>
        tpu.enqueue_dma source(%dma_start3A_1026 : memref<208x64xf32, #tpu.memory_space<hbm>>) target(%arg10 : memref<208x64xf32, #tpu.memory_space<vmem>>) target_semaphore(%arg14 : memref<!tpu.dma_semaphore, #tpu.memory_space<semaphore_mem>>)
      } else {
      }
      %sub3A_815 = arith.constant 1 : i32
      %sub3A_816 = arith.subi %add3A_778, %sub3A_815 : i32
      %dma_wait3A_817 = arith.constant 0 : i32
      %dma_wait3A_818 = arith.constant 0 : i32
      %dma_wait3A_819 = tpu.memref_slice %arg4[%dma_wait3A_817, %dma_wait3A_818] : memref<100000x64xf32, #tpu.memory_space<hbm>> -> memref<208x64xf32, #tpu.memory_space<hbm>>
      %dma_wait3A_820 = arith.constant 0 : i32
      %dma_wait3A_821 = arith.constant 0 : i32
      %dma_wait3A_822 = tpu.memref_slice %arg4[%dma_wait3A_820, %dma_wait3A_821] : memref<100000x64xf32, #tpu.memory_space<hbm>> -> memref<208x64xf32, #tpu.memory_space<hbm>>
      tpu.wait_dma2 semaphore(%arg17 : memref<!tpu.dma_semaphore, #tpu.memory_space<semaphore_mem>>) src(%dma_wait3A_822 : memref<208x64xf32, #tpu.memory_space<hbm>>) dst(%arg13 : memref<208x64xf32, #tpu.memory_space<vmem>>)
      %get3A_823 = arith.constant 3 : i32
      %get3A_824 = arith.index_cast %get3A_823 : i32 to index
      %get3A_825 = memref.load %arg9[%get3A_824] : memref<4xi32, #tpu.memory_space<smem>>
      %add3A_826 = arith.addi %mul3A_2, %sub3A_816 : i32
      %mul3A_827 = arith.constant 200 : i32
      %mul3A_828 = arith.muli %add3A_826, %mul3A_827 : i32
      %dma_start3A_829 = arith.constant 0 : i32
      %dma_start3A_830 = tpu.memref_slice %arg13[%get3A_825, %dma_start3A_829] : memref<208x64xf32, #tpu.memory_space<vmem>> -> memref<200x64xf32, #tpu.memory_space<vmem>>
      %dma_start3A_831 = arith.constant 0 : i32
      %dma_start3A_832 = tpu.memref_slice %arg6[%mul3A_828, %dma_start3A_831] : memref<819200x64xf32, #tpu.memory_space<hbm>> -> memref<200x64xf32, #tpu.memory_space<hbm>>
      %dma_start3A_833 = arith.constant 0 : i32
      %dma_start3A_834 = tpu.memref_slice %arg6[%mul3A_828, %dma_start3A_833] : memref<819200x64xf32, #tpu.memory_space<hbm>> -> memref<200x64xf32, #tpu.memory_space<hbm>>
      %dma_start3A_835 = arith.constant 0 : i32
      %dma_start3A_836 = tpu.memref_slice %arg13[%get3A_825, %dma_start3A_835] : memref<208x64xf32, #tpu.memory_space<vmem>> -> memref<200x64xf32, #tpu.memory_space<vmem>>
      tpu.enqueue_dma source(%dma_start3A_836 : memref<200x64xf32, #tpu.memory_space<vmem>>) target(%dma_start3A_834 : memref<200x64xf32, #tpu.memory_space<hbm>>) target_semaphore(%arg21 : memref<!tpu.dma_semaphore, #tpu.memory_space<semaphore_mem>>)
      %mul3A_837 = arith.constant 16 : i32
      %mul3A_838 = arith.muli %scan3A_77, %mul3A_837 : i32
      %add3A_839 = arith.constant 13 : i32
      %add3A_840 = arith.addi %mul3A_838, %add3A_839 : i32
      %dma_wait3A_841 = arith.constant 0 : i32
      %dma_wait3A_842 = arith.constant 0 : i32
      %dma_wait3A_843 = tpu.memref_slice %arg11[%dma_wait3A_841, %dma_wait3A_842] : memref<208x64xf32, #tpu.memory_space<vmem>> -> memref<200x64xf32, #tpu.memory_space<vmem>>
      %dma_wait3A_844 = arith.constant 0 : i32
      %dma_wait3A_845 = arith.constant 0 : i32
      %dma_wait3A_846 = tpu.memref_slice %arg6[%dma_wait3A_844, %dma_wait3A_845] : memref<819200x64xf32, #tpu.memory_space<hbm>> -> memref<200x64xf32, #tpu.memory_space<hbm>>
      %dma_wait3A_847 = arith.constant 0 : i32
      %dma_wait3A_848 = arith.constant 0 : i32
      %dma_wait3A_849 = tpu.memref_slice %arg6[%dma_wait3A_847, %dma_wait3A_848] : memref<819200x64xf32, #tpu.memory_space<hbm>> -> memref<200x64xf32, #tpu.memory_space<hbm>>
      %dma_wait3A_850 = arith.constant 0 : i32
      %dma_wait3A_851 = arith.constant 0 : i32
      %dma_wait3A_852 = tpu.memref_slice %arg11[%dma_wait3A_850, %dma_wait3A_851] : memref<208x64xf32, #tpu.memory_space<vmem>> -> memref<200x64xf32, #tpu.memory_space<vmem>>
      tpu.wait_dma2 semaphore(%arg19 : memref<!tpu.dma_semaphore, #tpu.memory_space<semaphore_mem>>) src(%dma_wait3A_852 : memref<200x64xf32, #tpu.memory_space<vmem>>) dst(%dma_wait3A_849 : memref<200x64xf32, #tpu.memory_space<hbm>>)
      %slice3A_853 = vector.extract_strided_slice %get3A_82 {offsets = [13], sizes = [1], strides = [1]} : vector<16xi32> to vector<1xi32>
      %squeeze3A_854 = vector.extract %slice3A_853[0] : i32 from vector<1xi32>
      %add3A_855 = arith.addi %squeeze3A_854, %squeeze3A : i32
      %ge3A_856 = arith.constant 100000 : i32
      %ge3A_857 = arith.cmpi sge, %add3A_855, %ge3A_856 : i32
      %sub3A_858 = arith.constant 100000 : i32
      %sub3A_859 = arith.subi %add3A_855, %sub3A_858 : i32
      %select_n3A_860 = arith.select %ge3A_857, %sub3A_859, %add3A_855 : i32
      %and3A_861 = arith.constant 7 : i32
      %and3A_862 = arith.andi %select_n3A_860, %and3A_861 : i32
      %swap3A_863 = arith.constant 1 : i32
      %swap3A_864 = arith.index_cast %swap3A_863 : i32 to index
      %swap3A_865 = memref.load %arg9[%swap3A_864] : memref<4xi32, #tpu.memory_space<smem>>
      memref.store %and3A_862, %arg9[%swap3A_864] : memref<4xi32, #tpu.memory_space<smem>>
      %sub3A_866 = arith.subi %select_n3A_860, %and3A_862 : i32
      %gt3A_867 = arith.constant 99792 : i32
      %gt3A_868 = arith.cmpi sgt, %select_n3A_860, %gt3A_867 : i32
      %convert_element_type3A_869 = arith.extui %gt3A_868 : i1 to i32
      %cond3A_870 = arith.constant 0 : i32
      %cond3A_871 = arith.cmpi ne, %convert_element_type3A_869, %cond3A_870 : i32
      scf.if %cond3A_871 {
        %sub3A_1023 = arith.constant 99744 : i32
        %sub3A_1024 = arith.subi %sub3A_866, %sub3A_1023 : i32
        %multiple_of3A = tpu.assume_multiple %sub3A_1024, 8 : i32
        %dma_start3A_1025 = arith.constant 0 : i32
        %dma_start3A_1026 = tpu.memref_slice %arg5[%multiple_of3A, %dma_start3A_1025] : memref<512x64xf32, #tpu.memory_space<hbm>> -> memref<208x64xf32, #tpu.memory_space<hbm>>
        %dma_start3A_1027 = arith.constant 0 : i32
        %dma_start3A_1028 = tpu.memref_slice %arg5[%multiple_of3A, %dma_start3A_1027] : memref<512x64xf32, #tpu.memory_space<hbm>> -> memref<208x64xf32, #tpu.memory_space<hbm>>
        tpu.enqueue_dma source(%dma_start3A_1028 : memref<208x64xf32, #tpu.memory_space<hbm>>) target(%arg11 : memref<208x64xf32, #tpu.memory_space<vmem>>) target_semaphore(%arg15 : memref<!tpu.dma_semaphore, #tpu.memory_space<semaphore_mem>>)
      } else {
      }
      %not3A_872 = arith.constant true
      %not3A_873 = arith.xori %gt3A_868, %not3A_872 : i1
      %convert_element_type3A_874 = arith.extui %not3A_873 : i1 to i32
      %cond3A_875 = arith.constant 0 : i32
      %cond3A_876 = arith.cmpi ne, %convert_element_type3A_874, %cond3A_875 : i32
      scf.if %cond3A_876 {
        %multiple_of3A = tpu.assume_multiple %sub3A_866, 8 : i32
        %dma_start3A_1023 = arith.constant 0 : i32
        %dma_start3A_1024 = tpu.memref_slice %arg4[%multiple_of3A, %dma_start3A_1023] : memref<100000x64xf32, #tpu.memory_space<hbm>> -> memref<208x64xf32, #tpu.memory_space<hbm>>
        %dma_start3A_1025 = arith.constant 0 : i32
        %dma_start3A_1026 = tpu.memref_slice %arg4[%multiple_of3A, %dma_start3A_1025] : memref<100000x64xf32, #tpu.memory_space<hbm>> -> memref<208x64xf32, #tpu.memory_space<hbm>>
        tpu.enqueue_dma source(%dma_start3A_1026 : memref<208x64xf32, #tpu.memory_space<hbm>>) target(%arg11 : memref<208x64xf32, #tpu.memory_space<vmem>>) target_semaphore(%arg15 : memref<!tpu.dma_semaphore, #tpu.memory_space<semaphore_mem>>)
      } else {
      }
      %sub3A_877 = arith.constant 1 : i32
      %sub3A_878 = arith.subi %add3A_840, %sub3A_877 : i32
      %dma_wait3A_879 = arith.constant 0 : i32
      %dma_wait3A_880 = arith.constant 0 : i32
      %dma_wait3A_881 = tpu.memref_slice %arg4[%dma_wait3A_879, %dma_wait3A_880] : memref<100000x64xf32, #tpu.memory_space<hbm>> -> memref<208x64xf32, #tpu.memory_space<hbm>>
      %dma_wait3A_882 = arith.constant 0 : i32
      %dma_wait3A_883 = arith.constant 0 : i32
      %dma_wait3A_884 = tpu.memref_slice %arg4[%dma_wait3A_882, %dma_wait3A_883] : memref<100000x64xf32, #tpu.memory_space<hbm>> -> memref<208x64xf32, #tpu.memory_space<hbm>>
      tpu.wait_dma2 semaphore(%arg14 : memref<!tpu.dma_semaphore, #tpu.memory_space<semaphore_mem>>) src(%dma_wait3A_884 : memref<208x64xf32, #tpu.memory_space<hbm>>) dst(%arg10 : memref<208x64xf32, #tpu.memory_space<vmem>>)
      %get3A_885 = arith.constant 0 : i32
      %get3A_886 = arith.index_cast %get3A_885 : i32 to index
      %get3A_887 = memref.load %arg9[%get3A_886] : memref<4xi32, #tpu.memory_space<smem>>
      %add3A_888 = arith.addi %mul3A_2, %sub3A_878 : i32
      %mul3A_889 = arith.constant 200 : i32
      %mul3A_890 = arith.muli %add3A_888, %mul3A_889 : i32
      %dma_start3A_891 = arith.constant 0 : i32
      %dma_start3A_892 = tpu.memref_slice %arg10[%get3A_887, %dma_start3A_891] : memref<208x64xf32, #tpu.memory_space<vmem>> -> memref<200x64xf32, #tpu.memory_space<vmem>>
      %dma_start3A_893 = arith.constant 0 : i32
      %dma_start3A_894 = tpu.memref_slice %arg6[%mul3A_890, %dma_start3A_893] : memref<819200x64xf32, #tpu.memory_space<hbm>> -> memref<200x64xf32, #tpu.memory_space<hbm>>
      %dma_start3A_895 = arith.constant 0 : i32
      %dma_start3A_896 = tpu.memref_slice %arg6[%mul3A_890, %dma_start3A_895] : memref<819200x64xf32, #tpu.memory_space<hbm>> -> memref<200x64xf32, #tpu.memory_space<hbm>>
      %dma_start3A_897 = arith.constant 0 : i32
      %dma_start3A_898 = tpu.memref_slice %arg10[%get3A_887, %dma_start3A_897] : memref<208x64xf32, #tpu.memory_space<vmem>> -> memref<200x64xf32, #tpu.memory_space<vmem>>
      tpu.enqueue_dma source(%dma_start3A_898 : memref<200x64xf32, #tpu.memory_space<vmem>>) target(%dma_start3A_896 : memref<200x64xf32, #tpu.memory_space<hbm>>) target_semaphore(%arg18 : memref<!tpu.dma_semaphore, #tpu.memory_space<semaphore_mem>>)
      %mul3A_899 = arith.constant 16 : i32
      %mul3A_900 = arith.muli %scan3A_77, %mul3A_899 : i32
      %add3A_901 = arith.constant 14 : i32
      %add3A_902 = arith.addi %mul3A_900, %add3A_901 : i32
      %dma_wait3A_903 = arith.constant 0 : i32
      %dma_wait3A_904 = arith.constant 0 : i32
      %dma_wait3A_905 = tpu.memref_slice %arg12[%dma_wait3A_903, %dma_wait3A_904] : memref<208x64xf32, #tpu.memory_space<vmem>> -> memref<200x64xf32, #tpu.memory_space<vmem>>
      %dma_wait3A_906 = arith.constant 0 : i32
      %dma_wait3A_907 = arith.constant 0 : i32
      %dma_wait3A_908 = tpu.memref_slice %arg6[%dma_wait3A_906, %dma_wait3A_907] : memref<819200x64xf32, #tpu.memory_space<hbm>> -> memref<200x64xf32, #tpu.memory_space<hbm>>
      %dma_wait3A_909 = arith.constant 0 : i32
      %dma_wait3A_910 = arith.constant 0 : i32
      %dma_wait3A_911 = tpu.memref_slice %arg6[%dma_wait3A_909, %dma_wait3A_910] : memref<819200x64xf32, #tpu.memory_space<hbm>> -> memref<200x64xf32, #tpu.memory_space<hbm>>
      %dma_wait3A_912 = arith.constant 0 : i32
      %dma_wait3A_913 = arith.constant 0 : i32
      %dma_wait3A_914 = tpu.memref_slice %arg12[%dma_wait3A_912, %dma_wait3A_913] : memref<208x64xf32, #tpu.memory_space<vmem>> -> memref<200x64xf32, #tpu.memory_space<vmem>>
      tpu.wait_dma2 semaphore(%arg20 : memref<!tpu.dma_semaphore, #tpu.memory_space<semaphore_mem>>) src(%dma_wait3A_914 : memref<200x64xf32, #tpu.memory_space<vmem>>) dst(%dma_wait3A_911 : memref<200x64xf32, #tpu.memory_space<hbm>>)
      %slice3A_915 = vector.extract_strided_slice %get3A_82 {offsets = [14], sizes = [1], strides = [1]} : vector<16xi32> to vector<1xi32>
      %squeeze3A_916 = vector.extract %slice3A_915[0] : i32 from vector<1xi32>
      %add3A_917 = arith.addi %squeeze3A_916, %squeeze3A : i32
      %ge3A_918 = arith.constant 100000 : i32
      %ge3A_919 = arith.cmpi sge, %add3A_917, %ge3A_918 : i32
      %sub3A_920 = arith.constant 100000 : i32
      %sub3A_921 = arith.subi %add3A_917, %sub3A_920 : i32
      %select_n3A_922 = arith.select %ge3A_919, %sub3A_921, %add3A_917 : i32
      %and3A_923 = arith.constant 7 : i32
      %and3A_924 = arith.andi %select_n3A_922, %and3A_923 : i32
      %swap3A_925 = arith.constant 2 : i32
      %swap3A_926 = arith.index_cast %swap3A_925 : i32 to index
      %swap3A_927 = memref.load %arg9[%swap3A_926] : memref<4xi32, #tpu.memory_space<smem>>
      memref.store %and3A_924, %arg9[%swap3A_926] : memref<4xi32, #tpu.memory_space<smem>>
      %sub3A_928 = arith.subi %select_n3A_922, %and3A_924 : i32
      %gt3A_929 = arith.constant 99792 : i32
      %gt3A_930 = arith.cmpi sgt, %select_n3A_922, %gt3A_929 : i32
      %convert_element_type3A_931 = arith.extui %gt3A_930 : i1 to i32
      %cond3A_932 = arith.constant 0 : i32
      %cond3A_933 = arith.cmpi ne, %convert_element_type3A_931, %cond3A_932 : i32
      scf.if %cond3A_933 {
        %sub3A_1023 = arith.constant 99744 : i32
        %sub3A_1024 = arith.subi %sub3A_928, %sub3A_1023 : i32
        %multiple_of3A = tpu.assume_multiple %sub3A_1024, 8 : i32
        %dma_start3A_1025 = arith.constant 0 : i32
        %dma_start3A_1026 = tpu.memref_slice %arg5[%multiple_of3A, %dma_start3A_1025] : memref<512x64xf32, #tpu.memory_space<hbm>> -> memref<208x64xf32, #tpu.memory_space<hbm>>
        %dma_start3A_1027 = arith.constant 0 : i32
        %dma_start3A_1028 = tpu.memref_slice %arg5[%multiple_of3A, %dma_start3A_1027] : memref<512x64xf32, #tpu.memory_space<hbm>> -> memref<208x64xf32, #tpu.memory_space<hbm>>
        tpu.enqueue_dma source(%dma_start3A_1028 : memref<208x64xf32, #tpu.memory_space<hbm>>) target(%arg12 : memref<208x64xf32, #tpu.memory_space<vmem>>) target_semaphore(%arg16 : memref<!tpu.dma_semaphore, #tpu.memory_space<semaphore_mem>>)
      } else {
      }
      %not3A_934 = arith.constant true
      %not3A_935 = arith.xori %gt3A_930, %not3A_934 : i1
      %convert_element_type3A_936 = arith.extui %not3A_935 : i1 to i32
      %cond3A_937 = arith.constant 0 : i32
      %cond3A_938 = arith.cmpi ne, %convert_element_type3A_936, %cond3A_937 : i32
      scf.if %cond3A_938 {
        %multiple_of3A = tpu.assume_multiple %sub3A_928, 8 : i32
        %dma_start3A_1023 = arith.constant 0 : i32
        %dma_start3A_1024 = tpu.memref_slice %arg4[%multiple_of3A, %dma_start3A_1023] : memref<100000x64xf32, #tpu.memory_space<hbm>> -> memref<208x64xf32, #tpu.memory_space<hbm>>
        %dma_start3A_1025 = arith.constant 0 : i32
        %dma_start3A_1026 = tpu.memref_slice %arg4[%multiple_of3A, %dma_start3A_1025] : memref<100000x64xf32, #tpu.memory_space<hbm>> -> memref<208x64xf32, #tpu.memory_space<hbm>>
        tpu.enqueue_dma source(%dma_start3A_1026 : memref<208x64xf32, #tpu.memory_space<hbm>>) target(%arg12 : memref<208x64xf32, #tpu.memory_space<vmem>>) target_semaphore(%arg16 : memref<!tpu.dma_semaphore, #tpu.memory_space<semaphore_mem>>)
      } else {
      }
      %sub3A_939 = arith.constant 1 : i32
      %sub3A_940 = arith.subi %add3A_902, %sub3A_939 : i32
      %dma_wait3A_941 = arith.constant 0 : i32
      %dma_wait3A_942 = arith.constant 0 : i32
      %dma_wait3A_943 = tpu.memref_slice %arg4[%dma_wait3A_941, %dma_wait3A_942] : memref<100000x64xf32, #tpu.memory_space<hbm>> -> memref<208x64xf32, #tpu.memory_space<hbm>>
      %dma_wait3A_944 = arith.constant 0 : i32
      %dma_wait3A_945 = arith.constant 0 : i32
      %dma_wait3A_946 = tpu.memref_slice %arg4[%dma_wait3A_944, %dma_wait3A_945] : memref<100000x64xf32, #tpu.memory_space<hbm>> -> memref<208x64xf32, #tpu.memory_space<hbm>>
      tpu.wait_dma2 semaphore(%arg15 : memref<!tpu.dma_semaphore, #tpu.memory_space<semaphore_mem>>) src(%dma_wait3A_946 : memref<208x64xf32, #tpu.memory_space<hbm>>) dst(%arg11 : memref<208x64xf32, #tpu.memory_space<vmem>>)
      %get3A_947 = arith.constant 1 : i32
      %get3A_948 = arith.index_cast %get3A_947 : i32 to index
      %get3A_949 = memref.load %arg9[%get3A_948] : memref<4xi32, #tpu.memory_space<smem>>
      %add3A_950 = arith.addi %mul3A_2, %sub3A_940 : i32
      %mul3A_951 = arith.constant 200 : i32
      %mul3A_952 = arith.muli %add3A_950, %mul3A_951 : i32
      %dma_start3A_953 = arith.constant 0 : i32
      %dma_start3A_954 = tpu.memref_slice %arg11[%get3A_949, %dma_start3A_953] : memref<208x64xf32, #tpu.memory_space<vmem>> -> memref<200x64xf32, #tpu.memory_space<vmem>>
      %dma_start3A_955 = arith.constant 0 : i32
      %dma_start3A_956 = tpu.memref_slice %arg6[%mul3A_952, %dma_start3A_955] : memref<819200x64xf32, #tpu.memory_space<hbm>> -> memref<200x64xf32, #tpu.memory_space<hbm>>
      %dma_start3A_957 = arith.constant 0 : i32
      %dma_start3A_958 = tpu.memref_slice %arg6[%mul3A_952, %dma_start3A_957] : memref<819200x64xf32, #tpu.memory_space<hbm>> -> memref<200x64xf32, #tpu.memory_space<hbm>>
      %dma_start3A_959 = arith.constant 0 : i32
      %dma_start3A_960 = tpu.memref_slice %arg11[%get3A_949, %dma_start3A_959] : memref<208x64xf32, #tpu.memory_space<vmem>> -> memref<200x64xf32, #tpu.memory_space<vmem>>
      tpu.enqueue_dma source(%dma_start3A_960 : memref<200x64xf32, #tpu.memory_space<vmem>>) target(%dma_start3A_958 : memref<200x64xf32, #tpu.memory_space<hbm>>) target_semaphore(%arg19 : memref<!tpu.dma_semaphore, #tpu.memory_space<semaphore_mem>>)
      %mul3A_961 = arith.constant 16 : i32
      %mul3A_962 = arith.muli %scan3A_77, %mul3A_961 : i32
      %add3A_963 = arith.constant 15 : i32
      %add3A_964 = arith.addi %mul3A_962, %add3A_963 : i32
      %dma_wait3A_965 = arith.constant 0 : i32
      %dma_wait3A_966 = arith.constant 0 : i32
      %dma_wait3A_967 = tpu.memref_slice %arg13[%dma_wait3A_965, %dma_wait3A_966] : memref<208x64xf32, #tpu.memory_space<vmem>> -> memref<200x64xf32, #tpu.memory_space<vmem>>
      %dma_wait3A_968 = arith.constant 0 : i32
      %dma_wait3A_969 = arith.constant 0 : i32
      %dma_wait3A_970 = tpu.memref_slice %arg6[%dma_wait3A_968, %dma_wait3A_969] : memref<819200x64xf32, #tpu.memory_space<hbm>> -> memref<200x64xf32, #tpu.memory_space<hbm>>
      %dma_wait3A_971 = arith.constant 0 : i32
      %dma_wait3A_972 = arith.constant 0 : i32
      %dma_wait3A_973 = tpu.memref_slice %arg6[%dma_wait3A_971, %dma_wait3A_972] : memref<819200x64xf32, #tpu.memory_space<hbm>> -> memref<200x64xf32, #tpu.memory_space<hbm>>
      %dma_wait3A_974 = arith.constant 0 : i32
      %dma_wait3A_975 = arith.constant 0 : i32
      %dma_wait3A_976 = tpu.memref_slice %arg13[%dma_wait3A_974, %dma_wait3A_975] : memref<208x64xf32, #tpu.memory_space<vmem>> -> memref<200x64xf32, #tpu.memory_space<vmem>>
      tpu.wait_dma2 semaphore(%arg21 : memref<!tpu.dma_semaphore, #tpu.memory_space<semaphore_mem>>) src(%dma_wait3A_976 : memref<200x64xf32, #tpu.memory_space<vmem>>) dst(%dma_wait3A_973 : memref<200x64xf32, #tpu.memory_space<hbm>>)
      %slice3A_977 = vector.extract_strided_slice %get3A_82 {offsets = [15], sizes = [1], strides = [1]} : vector<16xi32> to vector<1xi32>
      %squeeze3A_978 = vector.extract %slice3A_977[0] : i32 from vector<1xi32>
      %add3A_979 = arith.addi %squeeze3A_978, %squeeze3A : i32
      %ge3A_980 = arith.constant 100000 : i32
      %ge3A_981 = arith.cmpi sge, %add3A_979, %ge3A_980 : i32
      %sub3A_982 = arith.constant 100000 : i32
      %sub3A_983 = arith.subi %add3A_979, %sub3A_982 : i32
      %select_n3A_984 = arith.select %ge3A_981, %sub3A_983, %add3A_979 : i32
      %and3A_985 = arith.constant 7 : i32
      %and3A_986 = arith.andi %select_n3A_984, %and3A_985 : i32
      %swap3A_987 = arith.constant 3 : i32
      %swap3A_988 = arith.index_cast %swap3A_987 : i32 to index
      %swap3A_989 = memref.load %arg9[%swap3A_988] : memref<4xi32, #tpu.memory_space<smem>>
      memref.store %and3A_986, %arg9[%swap3A_988] : memref<4xi32, #tpu.memory_space<smem>>
      %sub3A_990 = arith.subi %select_n3A_984, %and3A_986 : i32
      %gt3A_991 = arith.constant 99792 : i32
      %gt3A_992 = arith.cmpi sgt, %select_n3A_984, %gt3A_991 : i32
      %convert_element_type3A_993 = arith.extui %gt3A_992 : i1 to i32
      %cond3A_994 = arith.constant 0 : i32
      %cond3A_995 = arith.cmpi ne, %convert_element_type3A_993, %cond3A_994 : i32
      scf.if %cond3A_995 {
        %sub3A_1023 = arith.constant 99744 : i32
        %sub3A_1024 = arith.subi %sub3A_990, %sub3A_1023 : i32
        %multiple_of3A = tpu.assume_multiple %sub3A_1024, 8 : i32
        %dma_start3A_1025 = arith.constant 0 : i32
        %dma_start3A_1026 = tpu.memref_slice %arg5[%multiple_of3A, %dma_start3A_1025] : memref<512x64xf32, #tpu.memory_space<hbm>> -> memref<208x64xf32, #tpu.memory_space<hbm>>
        %dma_start3A_1027 = arith.constant 0 : i32
        %dma_start3A_1028 = tpu.memref_slice %arg5[%multiple_of3A, %dma_start3A_1027] : memref<512x64xf32, #tpu.memory_space<hbm>> -> memref<208x64xf32, #tpu.memory_space<hbm>>
        tpu.enqueue_dma source(%dma_start3A_1028 : memref<208x64xf32, #tpu.memory_space<hbm>>) target(%arg13 : memref<208x64xf32, #tpu.memory_space<vmem>>) target_semaphore(%arg17 : memref<!tpu.dma_semaphore, #tpu.memory_space<semaphore_mem>>)
      } else {
      }
      %not3A_996 = arith.constant true
      %not3A_997 = arith.xori %gt3A_992, %not3A_996 : i1
      %convert_element_type3A_998 = arith.extui %not3A_997 : i1 to i32
      %cond3A_999 = arith.constant 0 : i32
      %cond3A_1000 = arith.cmpi ne, %convert_element_type3A_998, %cond3A_999 : i32
      scf.if %cond3A_1000 {
        %multiple_of3A = tpu.assume_multiple %sub3A_990, 8 : i32
        %dma_start3A_1023 = arith.constant 0 : i32
        %dma_start3A_1024 = tpu.memref_slice %arg4[%multiple_of3A, %dma_start3A_1023] : memref<100000x64xf32, #tpu.memory_space<hbm>> -> memref<208x64xf32, #tpu.memory_space<hbm>>
        %dma_start3A_1025 = arith.constant 0 : i32
        %dma_start3A_1026 = tpu.memref_slice %arg4[%multiple_of3A, %dma_start3A_1025] : memref<100000x64xf32, #tpu.memory_space<hbm>> -> memref<208x64xf32, #tpu.memory_space<hbm>>
        tpu.enqueue_dma source(%dma_start3A_1026 : memref<208x64xf32, #tpu.memory_space<hbm>>) target(%arg13 : memref<208x64xf32, #tpu.memory_space<vmem>>) target_semaphore(%arg17 : memref<!tpu.dma_semaphore, #tpu.memory_space<semaphore_mem>>)
      } else {
      }
      %sub3A_1001 = arith.constant 1 : i32
      %sub3A_1002 = arith.subi %add3A_964, %sub3A_1001 : i32
      %dma_wait3A_1003 = arith.constant 0 : i32
      %dma_wait3A_1004 = arith.constant 0 : i32
      %dma_wait3A_1005 = tpu.memref_slice %arg4[%dma_wait3A_1003, %dma_wait3A_1004] : memref<100000x64xf32, #tpu.memory_space<hbm>> -> memref<208x64xf32, #tpu.memory_space<hbm>>
      %dma_wait3A_1006 = arith.constant 0 : i32
      %dma_wait3A_1007 = arith.constant 0 : i32
      %dma_wait3A_1008 = tpu.memref_slice %arg4[%dma_wait3A_1006, %dma_wait3A_1007] : memref<100000x64xf32, #tpu.memory_space<hbm>> -> memref<208x64xf32, #tpu.memory_space<hbm>>
      tpu.wait_dma2 semaphore(%arg16 : memref<!tpu.dma_semaphore, #tpu.memory_space<semaphore_mem>>) src(%dma_wait3A_1008 : memref<208x64xf32, #tpu.memory_space<hbm>>) dst(%arg12 : memref<208x64xf32, #tpu.memory_space<vmem>>)
      %get3A_1009 = arith.constant 2 : i32
      %get3A_1010 = arith.index_cast %get3A_1009 : i32 to index
      %get3A_1011 = memref.load %arg9[%get3A_1010] : memref<4xi32, #tpu.memory_space<smem>>
      %add3A_1012 = arith.addi %mul3A_2, %sub3A_1002 : i32
      %mul3A_1013 = arith.constant 200 : i32
      %mul3A_1014 = arith.muli %add3A_1012, %mul3A_1013 : i32
      %dma_start3A_1015 = arith.constant 0 : i32
      %dma_start3A_1016 = tpu.memref_slice %arg12[%get3A_1011, %dma_start3A_1015] : memref<208x64xf32, #tpu.memory_space<vmem>> -> memref<200x64xf32, #tpu.memory_space<vmem>>
      %dma_start3A_1017 = arith.constant 0 : i32
      %dma_start3A_1018 = tpu.memref_slice %arg6[%mul3A_1014, %dma_start3A_1017] : memref<819200x64xf32, #tpu.memory_space<hbm>> -> memref<200x64xf32, #tpu.memory_space<hbm>>
      %dma_start3A_1019 = arith.constant 0 : i32
      %dma_start3A_1020 = tpu.memref_slice %arg6[%mul3A_1014, %dma_start3A_1019] : memref<819200x64xf32, #tpu.memory_space<hbm>> -> memref<200x64xf32, #tpu.memory_space<hbm>>
      %dma_start3A_1021 = arith.constant 0 : i32
      %dma_start3A_1022 = tpu.memref_slice %arg12[%get3A_1011, %dma_start3A_1021] : memref<208x64xf32, #tpu.memory_space<vmem>> -> memref<200x64xf32, #tpu.memory_space<vmem>>
      tpu.enqueue_dma source(%dma_start3A_1022 : memref<200x64xf32, #tpu.memory_space<vmem>>) target(%dma_start3A_1020 : memref<200x64xf32, #tpu.memory_space<hbm>>) target_semaphore(%arg20 : memref<!tpu.dma_semaphore, #tpu.memory_space<semaphore_mem>>)
    }
    %scan3A_9 = arith.constant 8 : i32
    %dma_wait3A = arith.constant 0 : i32
    %dma_wait3A_10 = arith.constant 0 : i32
    %dma_wait3A_11 = tpu.memref_slice %arg4[%dma_wait3A, %dma_wait3A_10] : memref<100000x64xf32, #tpu.memory_space<hbm>> -> memref<208x64xf32, #tpu.memory_space<hbm>>
    %dma_wait3A_12 = arith.constant 0 : i32
    %dma_wait3A_13 = arith.constant 0 : i32
    %dma_wait3A_14 = tpu.memref_slice %arg4[%dma_wait3A_12, %dma_wait3A_13] : memref<100000x64xf32, #tpu.memory_space<hbm>> -> memref<208x64xf32, #tpu.memory_space<hbm>>
    tpu.wait_dma2 semaphore(%arg17 : memref<!tpu.dma_semaphore, #tpu.memory_space<semaphore_mem>>) src(%dma_wait3A_14 : memref<208x64xf32, #tpu.memory_space<hbm>>) dst(%arg13 : memref<208x64xf32, #tpu.memory_space<vmem>>)
    %get3A_15 = arith.constant 3 : i32
    %get3A_16 = arith.index_cast %get3A_15 : i32 to index
    %get3A_17 = memref.load %arg9[%get3A_16] : memref<4xi32, #tpu.memory_space<smem>>
    %add3A_18 = arith.constant 127 : i32
    %add3A_19 = arith.addi %mul3A_2, %add3A_18 : i32
    %mul3A_20 = arith.constant 200 : i32
    %mul3A_21 = arith.muli %add3A_19, %mul3A_20 : i32
    %dma_start3A = arith.constant 0 : i32
    %dma_start3A_22 = tpu.memref_slice %arg13[%get3A_17, %dma_start3A] : memref<208x64xf32, #tpu.memory_space<vmem>> -> memref<200x64xf32, #tpu.memory_space<vmem>>
    %dma_start3A_23 = arith.constant 0 : i32
    %dma_start3A_24 = tpu.memref_slice %arg6[%mul3A_21, %dma_start3A_23] : memref<819200x64xf32, #tpu.memory_space<hbm>> -> memref<200x64xf32, #tpu.memory_space<hbm>>
    %dma_start3A_25 = arith.constant 0 : i32
    %dma_start3A_26 = tpu.memref_slice %arg6[%mul3A_21, %dma_start3A_25] : memref<819200x64xf32, #tpu.memory_space<hbm>> -> memref<200x64xf32, #tpu.memory_space<hbm>>
    %dma_start3A_27 = arith.constant 0 : i32
    %dma_start3A_28 = tpu.memref_slice %arg13[%get3A_17, %dma_start3A_27] : memref<208x64xf32, #tpu.memory_space<vmem>> -> memref<200x64xf32, #tpu.memory_space<vmem>>
    tpu.enqueue_dma source(%dma_start3A_28 : memref<200x64xf32, #tpu.memory_space<vmem>>) target(%dma_start3A_26 : memref<200x64xf32, #tpu.memory_space<hbm>>) target_semaphore(%arg21 : memref<!tpu.dma_semaphore, #tpu.memory_space<semaphore_mem>>)
    %dma_wait3A_29 = arith.constant 0 : i32
    %dma_wait3A_30 = arith.constant 0 : i32
    %dma_wait3A_31 = tpu.memref_slice %arg10[%dma_wait3A_29, %dma_wait3A_30] : memref<208x64xf32, #tpu.memory_space<vmem>> -> memref<200x64xf32, #tpu.memory_space<vmem>>
    %dma_wait3A_32 = arith.constant 0 : i32
    %dma_wait3A_33 = arith.constant 0 : i32
    %dma_wait3A_34 = tpu.memref_slice %arg6[%dma_wait3A_32, %dma_wait3A_33] : memref<819200x64xf32, #tpu.memory_space<hbm>> -> memref<200x64xf32, #tpu.memory_space<hbm>>
    %dma_wait3A_35 = arith.constant 0 : i32
    %dma_wait3A_36 = arith.constant 0 : i32
    %dma_wait3A_37 = tpu.memref_slice %arg6[%dma_wait3A_35, %dma_wait3A_36] : memref<819200x64xf32, #tpu.memory_space<hbm>> -> memref<200x64xf32, #tpu.memory_space<hbm>>
    %dma_wait3A_38 = arith.constant 0 : i32
    %dma_wait3A_39 = arith.constant 0 : i32
    %dma_wait3A_40 = tpu.memref_slice %arg10[%dma_wait3A_38, %dma_wait3A_39] : memref<208x64xf32, #tpu.memory_space<vmem>> -> memref<200x64xf32, #tpu.memory_space<vmem>>
    tpu.wait_dma2 semaphore(%arg18 : memref<!tpu.dma_semaphore, #tpu.memory_space<semaphore_mem>>) src(%dma_wait3A_40 : memref<200x64xf32, #tpu.memory_space<vmem>>) dst(%dma_wait3A_37 : memref<200x64xf32, #tpu.memory_space<hbm>>)
    %dma_wait3A_41 = arith.constant 0 : i32
    %dma_wait3A_42 = arith.constant 0 : i32
    %dma_wait3A_43 = tpu.memref_slice %arg11[%dma_wait3A_41, %dma_wait3A_42] : memref<208x64xf32, #tpu.memory_space<vmem>> -> memref<200x64xf32, #tpu.memory_space<vmem>>
    %dma_wait3A_44 = arith.constant 0 : i32
    %dma_wait3A_45 = arith.constant 0 : i32
    %dma_wait3A_46 = tpu.memref_slice %arg6[%dma_wait3A_44, %dma_wait3A_45] : memref<819200x64xf32, #tpu.memory_space<hbm>> -> memref<200x64xf32, #tpu.memory_space<hbm>>
    %dma_wait3A_47 = arith.constant 0 : i32
    %dma_wait3A_48 = arith.constant 0 : i32
    %dma_wait3A_49 = tpu.memref_slice %arg6[%dma_wait3A_47, %dma_wait3A_48] : memref<819200x64xf32, #tpu.memory_space<hbm>> -> memref<200x64xf32, #tpu.memory_space<hbm>>
    %dma_wait3A_50 = arith.constant 0 : i32
    %dma_wait3A_51 = arith.constant 0 : i32
    %dma_wait3A_52 = tpu.memref_slice %arg11[%dma_wait3A_50, %dma_wait3A_51] : memref<208x64xf32, #tpu.memory_space<vmem>> -> memref<200x64xf32, #tpu.memory_space<vmem>>
    tpu.wait_dma2 semaphore(%arg19 : memref<!tpu.dma_semaphore, #tpu.memory_space<semaphore_mem>>) src(%dma_wait3A_52 : memref<200x64xf32, #tpu.memory_space<vmem>>) dst(%dma_wait3A_49 : memref<200x64xf32, #tpu.memory_space<hbm>>)
    %dma_wait3A_53 = arith.constant 0 : i32
    %dma_wait3A_54 = arith.constant 0 : i32
    %dma_wait3A_55 = tpu.memref_slice %arg12[%dma_wait3A_53, %dma_wait3A_54] : memref<208x64xf32, #tpu.memory_space<vmem>> -> memref<200x64xf32, #tpu.memory_space<vmem>>
    %dma_wait3A_56 = arith.constant 0 : i32
    %dma_wait3A_57 = arith.constant 0 : i32
    %dma_wait3A_58 = tpu.memref_slice %arg6[%dma_wait3A_56, %dma_wait3A_57] : memref<819200x64xf32, #tpu.memory_space<hbm>> -> memref<200x64xf32, #tpu.memory_space<hbm>>
    %dma_wait3A_59 = arith.constant 0 : i32
    %dma_wait3A_60 = arith.constant 0 : i32
    %dma_wait3A_61 = tpu.memref_slice %arg6[%dma_wait3A_59, %dma_wait3A_60] : memref<819200x64xf32, #tpu.memory_space<hbm>> -> memref<200x64xf32, #tpu.memory_space<hbm>>
    %dma_wait3A_62 = arith.constant 0 : i32
    %dma_wait3A_63 = arith.constant 0 : i32
    %dma_wait3A_64 = tpu.memref_slice %arg12[%dma_wait3A_62, %dma_wait3A_63] : memref<208x64xf32, #tpu.memory_space<vmem>> -> memref<200x64xf32, #tpu.memory_space<vmem>>
    tpu.wait_dma2 semaphore(%arg20 : memref<!tpu.dma_semaphore, #tpu.memory_space<semaphore_mem>>) src(%dma_wait3A_64 : memref<200x64xf32, #tpu.memory_space<vmem>>) dst(%dma_wait3A_61 : memref<200x64xf32, #tpu.memory_space<hbm>>)
    %dma_wait3A_65 = arith.constant 0 : i32
    %dma_wait3A_66 = arith.constant 0 : i32
    %dma_wait3A_67 = tpu.memref_slice %arg13[%dma_wait3A_65, %dma_wait3A_66] : memref<208x64xf32, #tpu.memory_space<vmem>> -> memref<200x64xf32, #tpu.memory_space<vmem>>
    %dma_wait3A_68 = arith.constant 0 : i32
    %dma_wait3A_69 = arith.constant 0 : i32
    %dma_wait3A_70 = tpu.memref_slice %arg6[%dma_wait3A_68, %dma_wait3A_69] : memref<819200x64xf32, #tpu.memory_space<hbm>> -> memref<200x64xf32, #tpu.memory_space<hbm>>
    %dma_wait3A_71 = arith.constant 0 : i32
    %dma_wait3A_72 = arith.constant 0 : i32
    %dma_wait3A_73 = tpu.memref_slice %arg6[%dma_wait3A_71, %dma_wait3A_72] : memref<819200x64xf32, #tpu.memory_space<hbm>> -> memref<200x64xf32, #tpu.memory_space<hbm>>
    %dma_wait3A_74 = arith.constant 0 : i32
    %dma_wait3A_75 = arith.constant 0 : i32
    %dma_wait3A_76 = tpu.memref_slice %arg13[%dma_wait3A_74, %dma_wait3A_75] : memref<208x64xf32, #tpu.memory_space<vmem>> -> memref<200x64xf32, #tpu.memory_space<vmem>>
    tpu.wait_dma2 semaphore(%arg21 : memref<!tpu.dma_semaphore, #tpu.memory_space<semaphore_mem>>) src(%dma_wait3A_76 : memref<200x64xf32, #tpu.memory_space<vmem>>) dst(%dma_wait3A_73 : memref<200x64xf32, #tpu.memory_space<hbm>>)
    return
  }
}

</mosaic_0001>

<sc_bundles>
// kernel: kernel.3.cloned.1.call-start
scs
__scs_entry_jumppad:
0x0: {  	(pc) =	sbr.rel $0x88, $3  }
0x1: {  	(tag) =	ssettag $0x0;
	lr =	simm.s32 $0x1  }
0x2: {  	[smem:$0x3F9E] =	sst lr;
	_ =	strace $0xD0000000  }
0x3: {  	_ = 	snop  }
0x4: {  	_ = 	snop  }
0x5: {  	_ = 	snop  }
0x6: {  	_ = 	snop  }
0x7: {  	_ = 	snop  }
__scs_overlays_trampoline_lowered:
0x8: {  	[smem:$0x3FAD] =	sst s0  }
0x9: {  	[smem:$0x3FAE] =	sst s1  }
0xa: {  	[smem:$0x3FAF] =	sst s2  }
0xb: {  	[smem:$0x3FB0] =	sst s3  }
0xc: {  	[smem:$0x3FB1] =	sst s4  }
0xd: {  	[smem:$0x3FB2] =	sst s5  }
0xe: {  	[smem:$0x3FB3] =	sst s6  }
0xf: {  	[smem:$0x3FB4] =	sst s7  }
0x10: {  	[smem:$0x3FB5] =	sst s8  }
0x11: {  	[smem:$0x3FB6] =	sst s9;
	s0 =	simm.s32 @!p0 $0x0  }
0x12: {  	s1 =	sld [smem:$0x3F9C];
	s0 =	simm.s32 @p0 $0x1  }
0x13: {  	[smem:$0x3FB7] =	sst s0;
	s0 =	simm.s32 @!p1 $0x0  }
0x14: {  	s2 =	sld [smem:$0x3F9B];
	s0 =	simm.s32 @p1 $0x1  }
0x15: {  	[smem:$0x3FB8] =	sst s0;
	s0 =	simm.s32 @!p2 $0x0  }
0x16: {  	s3 =	sld [smem:$0x3FDB];
	s0 =	simm.s32 @p2 $0x1  }
0x17: {  	s4 =	simm.s32 $0x1BF5;
	[smem:$0x3FBA] =	sst s0  }
0x18: {  	s0 =	sld [smem:$0x3F9D];
	_ =	swait.ge [sflag:s4], $0x0  }
0x19: {  	s7 =	sld [smem:$0x3F9E]  }
0x1a: {  	s8 =	sadd.s32 $0xFFFFE003, lr  }
0x1b: {  	s9 =	sadd.s32 $0xFFFFFEF7, lr;
	s5 =	simm.s32 $0xFFFFFFFF;
	p2 =	slt.u32 s8, $0xFFFFF086  }
0x1c: {  	p1 =	slt.u32 s9, $0xF7A;
	s5 =	simm.s32 @!p2 $0x0  }
0x1d: {  	s5 =	simm.s32 @p1 $0x1;
	p0 =	seq.s32 s7, s2  }
0x1e: {  	s7 =	smul.u32 @!p0 $0xF7A, s2;
	p2 =	seq.s32 @!p0 s5, $0x0  }
0x1f: {  	s9 =	smul.u32 $0xF7A, s1;
	s8 =	simm.s32 @!p0 $0x1BF5;
	p2 =	por !p2, p0  }
0x20: {  	[sflag:s8] =	ssyncset.s32 @!p0 $0xFFFFF086;
	s6 =	sadd.s32 @!p0 s3, s7;
	s7 =	simm.s32 @!p0 $0x108  }
0x21: {  	s3 =	sadd.s32 s3, s9;
	s6 =	sadd.s32 @!p0 $0x88, s6;
	s7 =	simm.s32 @p2 $0x1082  }
0x22: {  	[simem:s7], [sflag:s8] =	dma.local @!p0 [hbm:s6], $0xF7A  }
0x23: {  	s9 =	sor.u32 $0xD0000000, s2;
	s6 =	simm.s32 $0x108;
	_ =	swait.ge @!p0 [sflag:s8], $0x0  }
0x24: {  	s3 =	sadd.s32 $0x88, s3;
	s6 =	simm.s32 @!p1 $0x1082;
	[sflag:s4] =	ssyncset.s32 $0xFFFFF086  }
0x25: {  	[simem:s6], [sflag:s4] =	dma.local [hbm:s3], $0xF7A  }
0x26: {  	[smem:$0x3F9E] =	sst s1;
	(tag) =	ssettag s2;
	_ =	strace s9  }
0x27: {  	s1 =	sld [smem:$0x3FAE]  }
0x28: {  	s2 =	sld [smem:$0x3FAF]  }
0x29: {  	s4 =	sld [smem:$0x3FB1]  }
0x2a: {  	p0 =	seq.s32 s5, $0x0;
	s5 =	sld [smem:$0x3FB2]  }
0x2b: {  	s6 =	sld [smem:$0x3FB3]  }
0x2c: {  	s7 =	sld [smem:$0x3FB4]  }
0x2d: {  	s3 =	simm.s32 $0x108;
	s8 =	sld [smem:$0x3FB5]  }
0x2e: {  	s3 =	simm.s32 @!p0 $0x1082;
	s9 =	sld [smem:$0x3FB6]  }
0x2f: {  	lr =	sadd.s32 s0, s3;
	s0 =	sld [smem:$0x3FAD]  }
0x30: {  	s3 =	sld [smem:$0x3FB0]  }
0x31: {  	[smem:$0x3FB9] =	sst s10  }
0x32: {  	s10 =	sld [smem:$0x3FB7];
	_ =	sdelay $0x3  }
0x33: {  	p0 =	seq.s32 s10, $0x1;
	s10 =	sld [smem:$0x3FB9];
	_ =	sdelay $0x3  }
0x34: {  	[smem:$0x3FB9] =	sst s10  }
0x35: {  	s10 =	sld [smem:$0x3FB8];
	_ =	sdelay $0x3  }
0x36: {  	p1 =	seq.s32 s10, $0x1;
	s10 =	sld [smem:$0x3FB9];
	_ =	sdelay $0x3  }
0x37: {  	[smem:$0x3FB9] =	sst s10  }
0x38: {  	s10 =	sld [smem:$0x3FBA]  }
0x39: {  	_ = 	snop;
	(pc) =	sbr.ind lr, $3  }
0x3a: {  	_ = 	snop  }
0x3b: {  	_ = 	snop  }
0x3c: {  	p2 =	seq.s32 s10, $0x1;
	s10 =	sld [smem:$0x3FB9]  }
0x3d: {  	_ =	shalt  }
0x3e: {  	_ =	shalt  }
0x3f: {  	_ =	shalt  }
0x40: {  	_ =	shalt  }
0x41: {  	_ =	shalt  }
0x42: {  	_ =	shalt  }
0x43: {  	_ =	shalt  }
0x44: {  	_ =	shalt  }
0x45: {  	_ =	shalt  }
0x46: {  	_ =	shalt  }
0x47: {  	_ =	shalt  }
0x48: {  	_ =	shalt  }
0x49: {  	_ =	shalt  }
0x4a: {  	_ =	shalt  }
0x4b: {  	_ =	shalt  }
0x4c: {  	_ =	shalt  }
0x4d: {  	_ =	shalt  }
0x4e: {  	_ =	shalt  }
0x4f: {  	_ =	shalt  }
0x50: {  	_ =	shalt  }
0x51: {  	_ =	shalt  }
0x52: {  	_ =	shalt  }
0x53: {  	_ =	shalt  }
0x54: {  	_ =	shalt  }
0x55: {  	_ =	shalt  }
0x56: {  	_ =	shalt  }
0x57: {  	_ =	shalt  }
0x58: {  	_ =	shalt  }
0x59: {  	_ =	shalt  }
0x5a: {  	_ =	shalt  }
0x5b: {  	_ =	shalt  }
0x5c: {  	_ =	shalt  }
0x5d: {  	_ =	shalt  }
0x5e: {  	_ =	shalt  }
0x5f: {  	_ =	shalt  }
0x60: {  	_ =	shalt  }
0x61: {  	_ =	shalt  }
0x62: {  	_ =	shalt  }
0x63: {  	_ =	shalt  }
0x64: {  	_ =	shalt  }
0x65: {  	_ =	shalt  }
0x66: {  	_ =	shalt  }
0x67: {  	_ =	shalt  }
0x68: {  	_ =	shalt  }
0x69: {  	_ =	shalt  }
0x6a: {  	_ =	shalt  }
0x6b: {  	_ =	shalt  }
0x6c: {  	_ =	shalt  }
0x6d: {  	_ =	shalt  }
0x6e: {  	_ =	shalt  }
0x6f: {  	_ =	shalt  }
0x70: {  	_ =	shalt  }
0x71: {  	_ =	shalt  }
0x72: {  	_ =	shalt  }
0x73: {  	_ =	shalt  }
0x74: {  	_ =	shalt  }
0x75: {  	_ =	shalt  }
0x76: {  	_ =	shalt  }
0x77: {  	_ =	shalt  }
0x78: {  	_ =	shalt  }
0x79: {  	_ =	shalt  }
0x7a: {  	_ =	shalt  }
0x7b: {  	_ =	shalt  }
0x7c: {  	_ =	shalt  }
0x7d: {  	_ =	shalt  }
0x7e: {  	_ =	shalt  }
0x7f: {  	_ =	shalt  }
0x80: {  	_ =	shalt  }
0x81: {  	_ =	shalt  }
0x82: {  	_ =	shalt  }
0x83: {  	_ =	shalt  }
0x84: {  	_ =	shalt  }
0x85: {  	_ =	shalt  }
0x86: {  	_ =	shalt  }
0x87: {  	_ =	shalt  }
.Lfunc_end0:
.L_simem_size_0:
called_computation.1_lowered:
.L_overlay_start_0:
0x88: {  	s2 =	sld [smem:$0x3FD9]  }
0x89: {  	s3 =	sld [smem:$0x3FFE];
	_ =	sdelay $0x1  }
0x8a: {  	s1 =	srdreg.scid  }
0x8b: {  	s0 =	sand.u32 $0x1, s1  }
0x8c: {  	s17 =	sshll.u32 s0, $0xA;
	s2 =	sadd.s32 s3, s2  }
0x8d: {  	s2 =	sadd.s32 s2, s17  }
0x8e: {  	[smem:$0x3FC5] =	sst s2  }
0x8f: {  	_ = 	snop  }
0x90: {  	s2 =	sld [smem:$0x3FC9]  }
0x91: {  	s18 =	sld [smem:$0x3FD0];
	(tm) =	ssettm $0x1  }
0x92: {  	s4 =	sld [smem:$0x3FFB];
	_ =	sdelay $0x3  }
0x93: {  	_ =	strace s4  }
0x94: {  	s4 =	sld [smem:$0x3FFC];
	_ =	sdelay $0x3  }
0x95: {  	_ =	strace s4  }
0x96: {  	s4 =	sld [smem:$0x3FFD];
	_ =	sdelay $0x3  }
0x97: {  	_ =	strace s4  }
0x98: {  	_ =	strace $0x8FFFFFFF  }
0x99: {  	s19 =	sld [smem:$0x3FDB];
	_ =	sdelay $0x1  }
0x9a: {  	s5 =	simm.s32 $_scs_section_size  }
0x9b: {  	s6 =	simm.s32 $_size__tile_overlayer_lowered;
	s7 =	simm.s32 $_tile_overlayer_lowered  }
0x9c: {  	s22 =	simm.s32 $0x1BFF;
	s21 =	sshll.u32 s7, $0x1;
	s4 =	sadd.s32 s5, s19  }
0x9d: {  	s8 =	simm.s32 $0x0;
	s20 =	sshll.u32 s6, $0x1;
	s6 =	sadd.s32 s21, s4  }
0x9e: {  	[timem:s8], [sflag:s22] =	dma.local [hbm:s6], s20  }
0x9f: {  	_ =	swait.ge [sflag:s22], s20  }
0xa0: {  	s5 =	ssub.s32 $0x0, s20;
	[sflag:s22] =	ssyncset.done $0x0  }
0xa1: {  	[sflag:s22] =	ssyncadd.s32 s5;
	_ =	sdelay $0x1  }
0xa2: {  	s23 =	simm.s32 $0x1B8B  }
0xa3: {  	_ =	swait.ge [sflag:s23], $0x1  }
0xa4: {  	[sflag:s23] =	ssyncset.done $0x0  }
0xa5: {  	s25 =	simm.s32 $0x1B8E;
	s24 =	sld [smem:$0x3FFE];
	[sflag:s23] =	ssyncadd.s32 $0xFFFFFFFF  }
0xa6: {  	s26 =	simm.s32 $execute0_lowered;
	[smem:$0x3FD2] =	sst s25  }
0xa7: {  	s6 =	sshll.u32 s26, $0x1;
	_ =	strace $0x80000046;
	[dreg:$0x1] =	wrdreg $0xFFFFFFFF  }
0xa8: {  	s28 =	simm.s32 $_size_execute0_lowered;
	s4 =	sadd.s32 s4, s6;
	[dreg:$0x0] =	wrdreg $0x0  }
0xa9: {  	s6 =	sshll.u32 s28, $0x1;
	[dreg:$0x2] =	wrdreg s4  }
0xaa: {  	[dreg:$0x3] =	wrdreg s6  }
0xab: {  	[dreg:$0x4] =	wrdreg $0xC0  }
0xac: {  	_ =	task [dreg:s8], $0x5FFFF  }
0xad: {  	[dreg:$0x1] =	wrdreg $0xFFFFFFFF  }
0xae: {  	[dreg:$0x0] =	wrdreg $0x60  }
0xaf: {  	[dreg:$0x2] =	wrdreg s2  }
0xb0: {  	[dreg:$0x3] =	wrdreg s24  }
0xb1: {  	[dreg:$0x4] =	wrdreg s18  }
0xb2: {  	[dreg:$0x5] =	wrdreg $0x9  }
0xb3: {  	_ =	task.clear_ibuf [dreg:s8], $0x6FFFF;
	_ =	strace $0x90000046  }
0xb4: {  	s29 =	simm.s32 $0x9;
	_ =	strace $0x80000048  }
0xb5: {  	_ =	swait.ge [sflag:s29], $0x1  }
0xb6: {  	[sflag:s29] =	ssyncadd.s32 $0xFFFFFFFF  }
0xb7: {  	_ =	strace $0x90000048  }
0xb8: {  	_ =	sfence  }
0xb9: {  	s30 =	sld [smem:$0x0];
	_ =	sdelay $0x2  }
0xba: {  	s31 =	sshll.u32 s1, $0xD;
	s1 =	sshrl.u32 s1, $0x2  }
0xbb: {  	s3 =	sand.u32 $0x4000, s31;
	s1 =	sadd.s32 s1, s30  }
0xbc: {  	s0 =	sor.u32 s3, s0;
	s1 =	sshll.u32 s1, $0x11  }
0xbd: {  	s0 =	sor.u32 s1, s0  }
0xbe: {  	s0 =	sadd.s32 $0x8F2B, s0  }
0xbf: {  	[sflag:s0] =	ssyncadd.remote.s32 $0x1  }
0xc0: {  	_ =	sfence.sel $0xFFFF  }
0xc1: {  	[dreg:$0x0] =	wrdreg $0xFFFFFFFF;
	(pc) =	sbr.abs _section_cstart, $3  }
0xc2: {  	[dreg:$0x1] =	wrdreg $0xFFFFFFFF  }
0xc3: {  	_ =	task.clear_ibuf [dreg:s8], $0x2FFFF;
	_ =	strace $0x9FFFFFFF  }
0xc4: {  	(tm) =	ssettm $0x7FFFFFFF  }
0xc5: {  	_ =	shalt  }
tec
execute0_lowered:
.L_overlay_start_1:
0x0: {  	(tag) =	ssettag $0x1  }
0x1: {  	s0 =	rddreg [dreg:$0x0]  }
0x2: {  	s6 =	rddreg [dreg:$0x1]  }
0x3: {  	s2 =	rddreg [dreg:$0x2];
	s4 =	srdreg.scid;
	s3 =	simm.s32 $0x0  }
0x4: {  	s1 =	stileid.u32;
	s14 =	simm.s32 $0x6900;
	s15 =	simm.s32 $0x1  }
0x5: {  	s16 =	simm.s32 $0xD100;
	s17 =	simm.s32 $0x2;
	s18 =	simm.s32 $0x13900  }
0x6: {  	s19 =	simm.s32 $0x3;
	s20 =	simm.s32 $0x5;
	s21 =	simm.s32 $0x4  }
0x7: {  	s22 =	simm.s32 $0x6;
	s23 =	simm.s32 $0x7;
	s24 =	simm.s32 $0x8  }
0x8: {  	s25 =	simm.s32 $0x0;
	s7 =	sand.u32 $0x1, s4;
	[smem:$0x7FF] =	sst s3  }
0x9: {  	s8 =	sshll.u32 s1, $0x7;
	s29 =	sadd.s32 $0x2A00, s6;
	s12 =	smul.u32 $0x64000, s1  }
0xa: {  	s5 =	sshll.u32 s7, $0xB;
	_ =	strace $0x80000047;
	[dreg:$0x5] =	wrdreg s29  }
0xb: {  	s9 =	ssub.s32 $0x2, s7;
	s7 =	smul.u32 $0x640000, s7;
	s8 =	sor.u32 s8, s5  }
0xc: {  	s5 =	sadd.s32 $0xA00, s6;
	s6 =	sadd.s32 $0x2C00, s6;
	s11 =	sshrl.u32 s9, $0x1  }
0xd: {  	s10 =	smul.u32 $0x6400, s8;
	s8 =	sshrl.u32 s8, $0x3;
	s13 =	sadd.s32 s7, s6  }
0xe: {  	s9 =	ssub.s32 s9, s11;
	s0 =	sadd.s32 s0, s8;
	s31 =	sadd.s32 s12, s13  }
0xf: {  	s9 =	smax.u32 s9, $0x1;
	s30 =	sshrl.u32 s10, $0x3;
	[dreg:$0x6] =	wrdreg s0  }
0x10: {  	s13 =	simm.s32 $0x100;
	[dreg:$0x4] =	wrdreg s31;
	s11 =	sadd.s32 s6, s30  }
0x11: {  	s10 =	sadd.s32 $0xFFFF9C00, s10;
	s8 =	sadd.s32 $0x63380, s11;
	s11 =	simm.s32 $0x9  }
.LBB2_1:
0x12: {  	s0 =	rddreg [dreg:$0x6]  }
0x13: {  	[tilespmem:s3], [sflag:$0x9] =	stream.linear.gather [hbm4b:s0+s3], $0x80, $0x38;
	[tilespmem:$0x1A100] =	vst v63  }
0x14: {  	_ =	swait.ge [sflag:s11], $0x80  }
0x15: {  	[sflag:s11] =	ssyncset.done $0x0  }
0x16: {  	s1 =	simm.s32 $0x80;
	s31 =	rddreg [dreg:$0x5];
	[sflag:s11] =	ssyncadd.s32 $0xFFFFFF80  }
0x17: {  	[tilespmem:s1], [sflag:$0x9] =	stream.linear.gather [hbm4b:s31+s3], $0x80, $0x38;
	[tilespmem:$0x1A100] =	vst v63  }
0x18: {  	_ =	swait.ge [sflag:s11], $0x80  }
0x19: {  	[sflag:s11] =	ssyncset.done $0x0  }
0x1a: {  	[sflag:s11] =	ssyncadd.s32 $0xFFFFFF80  }
0x1b: {  	v0 =	vld [tilespmem:$0x80];
	_ =	sdelay $0x4  }
0x1c: {  	(v2sf) =	vpush v0, $0x0;
	_ =	sdelay $0xd  }
0x1d: {  	s28 =	simm.s32 $0x0  }
0x1e: {  	s29 =	smov.u32 s10;
	s30 =	simm.s32 $0x0;
	s26 =	spop (v2sf)  }
.LBB2_2:
0x1f: {  	v0 =	vld [tilespmem:s28+$0x0];
	_ =	sdelay $0x1  }
0x20: {  	p0 =	seq.s32 s30, $0x0  }
0x21: {  	s0 =	simm.s32 @!p0 $0x5  }
0x22: {  	_ =	swait.ge @!p0 [sflag:s0], $0x6400  }
0x23: {  	(v2sf) =	vpush v0, $0x0;
	_ =	sdelay $0xe  }
0x24: {  	s31 =	spop (v2sf)  }
0x25: {  	s31 =	sadd.s32 s26, s31  }
0x26: {  	p1 =	sgt.s32 s31, $0x1869F;
	s1 =	sadd.s32 $0xFFFE7960, s31  }
0x27: {  	s31 =	smov.u32 @p1 s1  }
0x28: {  	p1 =	slt.s32 s31, $0x185D1  }
0x29: {  	s1 =	sshll.u32 @!p1 s31, $0x7  }
0x2a: {  	s1 =	sand.u32 @!p1 $0xFFFFFC00, s1  }
0x2b: {  	s12 =	sshll.u32 @p1 s31, $0x4;
	s1 =	sadd.s32 @!p1 $0xFF3D3000, s1  }
0x2c: {  	s12 =	sand.u32 @p1 $0xFFFFF80, s12;
	s1 =	sshrl.u32 @!p1 s1, $0x3  }
0x2d: {  	[sflag:s0] =	ssyncset.done @!p0 $0x0;
	s12 =	sadd.s32 @p1 s2, s12;
	s1 =	sadd.s32 @!p1 s5, s1  }
0x2e: {  	[sflag:s0] =	ssyncadd.s32 @!p0 $0xFFFF9C00;
	s7 =	sand.u32 $0x7, s31;
	s1 =	smov.u32 @p1 s12  }
0x2f: {  	[tilespmem:s13], [sflag:$0x1] =	stream.linear.gather [hbm4b:s1+s3], $0x6800, $0x38;
	[tilespmem:$0x1A100] =	vst v63  }
0x30: {  	[smem:$0x0] =	sst s7;
	s1 =	simm.s32 @!p0 $0x4  }
0x31: {  	_ =	swait.ge @!p0 [sflag:s1], $0x6800  }
0x32: {  	[sflag:s1] =	ssyncset.done @!p0 $0x0  }
0x33: {  	[sflag:s1] =	ssyncadd.s32 @!p0 $0xFFFF9800  }
0x34: {  	s1 =	sld @!p0 [smem:$0x3];
	_ =	sdelay $0x2  }
0x35: {  	s1 =	sshll.u32 @!p0 s1, $0x9  }
0x36: {  	s12 =	sshrl.u32 @!p0 s29, $0x3;
	s1 =	sshra.s32 @!p0 s1, $0x2  }
0x37: {  	s31 =	simm.s32 @!p0 $0x0;
	s12 =	sadd.s32 @!p0 s6, s12;
	s1 =	sadd.s32 @!p0 $0x13900, s1  }
0x38: {  	[hbm4b:s12+s31] =	stream.linear.scatter @!p0 [tilespmem:s1], [sflag:$0x8], $0x6400, $0x38;
	[tilespmem:$0x1A100] =	vst v63  }
0x39: {  	s1 =	simm.s32 @!p0 $0x6  }
0x3a: {  	_ =	swait.ge @!p0 [sflag:s1], $0x6400  }
0x3b: {  	(v2sf) =	vpush v0, $0x1;
	_ =	sdelay $0xe  }
0x3c: {  	s31 =	spop (v2sf)  }
0x3d: {  	s12 =	sadd.s32 s26, s31  }
0x3e: {  	p1 =	sgt.s32 s12, $0x1869F;
	s31 =	sadd.s32 $0xFFFE7960, s12  }
0x3f: {  	s12 =	smov.u32 @p1 s31  }
0x40: {  	p1 =	slt.s32 s12, $0x185D1  }
0x41: {  	s31 =	sshll.u32 @!p1 s12, $0x7  }
0x42: {  	s31 =	sand.u32 @!p1 $0xFFFFFC00, s31  }
0x43: {  	[sflag:s1] =	ssyncset.done @!p0 $0x0;
	s4 =	sshll.u32 @p1 s12, $0x4;
	s31 =	sadd.s32 @!p1 $0xFF3D3000, s31  }
0x44: {  	[sflag:s1] =	ssyncadd.s32 @!p0 $0xFFFF9C00;
	s1 =	sand.u32 @p1 $0xFFFFF80, s4;
	s4 =	sshrl.u32 @!p1 s31, $0x3  }
0x45: {  	s12 =	sand.u32 $0x7, s12;
	s1 =	sadd.s32 @p1 s2, s1;
	s4 =	sadd.s32 @!p1 s5, s4  }
0x46: {  	[smem:$0x1] =	sst s12;
	s4 =	smov.u32 @p1 s1  }
0x47: {  	[tilespmem:s14], [sflag:$0x2] =	stream.linear.gather [hbm4b:s4+s3], $0x6800, $0x38;
	[tilespmem:$0x1A100] =	vst v63  }
0x48: {  	_ =	swait.ge [sflag:s15], $0x6800  }
0x49: {  	s0 =	sshll.u32 s7, $0x7;
	s4 =	rddreg [dreg:$0x4];
	[sflag:s15] =	ssyncset.done $0x0  }
0x4a: {  	s0 =	sadd.s32 $0x100, s0;
	[sflag:s15] =	ssyncadd.s32 $0xFFFF9800;
	s31 =	sadd.s32 s30, s4  }
0x4b: {  	[hbm4b:s31+s3] =	stream.linear.scatter [tilespmem:s0], [sflag:$0x5], $0x6400, $0x38;
	[tilespmem:$0x1A100] =	vst v63  }
0x4c: {  	s0 =	simm.s32 @!p0 $0x7  }
0x4d: {  	_ =	swait.ge @!p0 [sflag:s0], $0x6400  }
0x4e: {  	(v2sf) =	vpush v0, $0x2;
	_ =	sdelay $0xe  }
0x4f: {  	s7 =	spop (v2sf)  }
0x50: {  	s1 =	sadd.s32 s26, s7  }
0x51: {  	p1 =	sgt.s32 s1, $0x1869F;
	s4 =	sadd.s32 $0xFFFE7960, s1  }
0x52: {  	s1 =	smov.u32 @p1 s4  }
0x53: {  	p1 =	slt.s32 s1, $0x185D1  }
0x54: {  	s4 =	sshll.u32 @!p1 s1, $0x7  }
0x55: {  	s4 =	sand.u32 @!p1 $0xFFFFFC00, s4  }
0x56: {  	[sflag:s0] =	ssyncset.done @!p0 $0x0;
	s7 =	sshll.u32 @p1 s1, $0x4;
	s4 =	sadd.s32 @!p1 $0xFF3D3000, s4  }
0x57: {  	[sflag:s0] =	ssyncadd.s32 @!p0 $0xFFFF9C00;
	s0 =	sand.u32 @p1 $0xFFFFF80, s7;
	s4 =	sshrl.u32 @!p1 s4, $0x3  }
0x58: {  	s1 =	sand.u32 $0x7, s1;
	s0 =	sadd.s32 @p1 s2, s0;
	s4 =	sadd.s32 @!p1 s5, s4  }
0x59: {  	[smem:$0x2] =	sst s1;
	s4 =	smov.u32 @p1 s0  }
0x5a: {  	[tilespmem:s16], [sflag:$0x3] =	stream.linear.gather [hbm4b:s4+s3], $0x6800, $0x38;
	[tilespmem:$0x1A100] =	vst v63  }
0x5b: {  	_ =	swait.ge [sflag:s17], $0x6800  }
0x5c: {  	s4 =	sshll.u32 s12, $0x7;
	[sflag:s17] =	ssyncset.done $0x0  }
0x5d: {  	s7 =	sadd.s32 $0xC80, s31;
	s0 =	sadd.s32 $0x6900, s4;
	[sflag:s17] =	ssyncadd.s32 $0xFFFF9800  }
0x5e: {  	[hbm4b:s7+s3] =	stream.linear.scatter [tilespmem:s0], [sflag:$0x6], $0x6400, $0x38;
	[tilespmem:$0x1A100] =	vst v63  }
0x5f: {  	s0 =	simm.s32 @!p0 $0x8  }
0x60: {  	_ =	swait.ge @!p0 [sflag:s0], $0x6400  }
0x61: {  	(v2sf) =	vpush v0, $0x3;
	_ =	sdelay $0xe  }
0x62: {  	s12 =	spop (v2sf)  }
0x63: {  	s4 =	sadd.s32 s26, s12  }
0x64: {  	p1 =	sgt.s32 s4, $0x1869F;
	s7 =	sadd.s32 $0xFFFE7960, s4  }
0x65: {  	s4 =	smov.u32 @p1 s7  }
0x66: {  	p1 =	slt.s32 s4, $0x185D1  }
0x67: {  	s7 =	sshll.u32 @!p1 s4, $0x7  }
0x68: {  	s7 =	sand.u32 @!p1 $0xFFFFFC00, s7  }
0x69: {  	[sflag:s0] =	ssyncset.done @!p0 $0x0;
	s12 =	sshll.u32 @p1 s4, $0x4;
	s7 =	sadd.s32 @!p1 $0xFF3D3000, s7  }
0x6a: {  	[sflag:s0] =	ssyncadd.s32 @!p0 $0xFFFF9C00;
	s0 =	sand.u32 @p1 $0xFFFFF80, s12;
	s7 =	sshrl.u32 @!p1 s7, $0x3  }
0x6b: {  	s4 =	sand.u32 $0x7, s4;
	s0 =	sadd.s32 @p1 s2, s0;
	s7 =	sadd.s32 @!p1 s5, s7  }
0x6c: {  	[smem:$0x3] =	sst s4;
	s7 =	smov.u32 @p1 s0  }
0x6d: {  	[tilespmem:s18], [sflag:$0x4] =	stream.linear.gather [hbm4b:s7+s3], $0x6800, $0x38;
	[tilespmem:$0x1A100] =	vst v63  }
0x6e: {  	_ =	swait.ge [sflag:s19], $0x6800  }
0x6f: {  	s7 =	sshll.u32 s1, $0x7;
	[sflag:s19] =	ssyncset.done $0x0  }
0x70: {  	s12 =	sadd.s32 $0x1900, s31;
	s0 =	sadd.s32 $0xD100, s7;
	[sflag:s19] =	ssyncadd.s32 $0xFFFF9800  }
0x71: {  	[hbm4b:s12+s3] =	stream.linear.scatter [tilespmem:s0], [sflag:$0x7], $0x6400, $0x38;
	[tilespmem:$0x1A100] =	vst v63  }
0x72: {  	_ =	swait.ge [sflag:s20], $0x6400  }
0x73: {  	(v2sf) =	vpush v0, $0x4;
	_ =	sdelay $0xe  }
0x74: {  	s1 =	spop (v2sf)  }
0x75: {  	s0 =	sadd.s32 s26, s1  }
0x76: {  	p0 =	sgt.s32 s0, $0x1869F;
	s1 =	sadd.s32 $0xFFFE7960, s0  }
0x77: {  	s0 =	smov.u32 @p0 s1  }
0x78: {  	p0 =	slt.s32 s0, $0x185D1  }
0x79: {  	s1 =	sshll.u32 @!p0 s0, $0x7  }
0x7a: {  	s1 =	sand.u32 @!p0 $0xFFFFFC00, s1  }
0x7b: {  	[sflag:s20] =	ssyncset.done $0x0;
	s7 =	sshll.u32 @p0 s0, $0x4;
	s1 =	sadd.s32 @!p0 $0xFF3D3000, s1  }
0x7c: {  	[sflag:s20] =	ssyncadd.s32 $0xFFFF9C00;
	s7 =	sand.u32 @p0 $0xFFFFF80, s7;
	s1 =	sshrl.u32 @!p0 s1, $0x3  }
0x7d: {  	s0 =	sand.u32 $0x7, s0;
	s7 =	sadd.s32 @p0 s2, s7;
	s1 =	sadd.s32 @!p0 s5, s1  }
0x7e: {  	[smem:$0x0] =	sst s0;
	s1 =	smov.u32 @p0 s7  }
0x7f: {  	[tilespmem:s13], [sflag:$0x1] =	stream.linear.gather [hbm4b:s1+s3], $0x6800, $0x38;
	[tilespmem:$0x1A100] =	vst v63  }
0x80: {  	_ =	swait.ge [sflag:s21], $0x6800  }
0x81: {  	s7 =	sshll.u32 s4, $0x7;
	[sflag:s21] =	ssyncset.done $0x0  }
0x82: {  	s12 =	sadd.s32 $0x2580, s31;
	s1 =	sadd.s32 $0x13900, s7;
	[sflag:s21] =	ssyncadd.s32 $0xFFFF9800  }
0x83: {  	[hbm4b:s12+s3] =	stream.linear.scatter [tilespmem:s1], [sflag:$0x8], $0x6400, $0x38;
	[tilespmem:$0x1A100] =	vst v63  }
0x84: {  	_ =	swait.ge [sflag:s22], $0x6400  }
0x85: {  	(v2sf) =	vpush v0, $0x5;
	_ =	sdelay $0xe  }
0x86: {  	s7 =	spop (v2sf)  }
0x87: {  	s1 =	sadd.s32 s26, s7  }
0x88: {  	p0 =	sgt.s32 s1, $0x1869F;
	s4 =	sadd.s32 $0xFFFE7960, s1  }
0x89: {  	s1 =	smov.u32 @p0 s4  }
0x8a: {  	p0 =	slt.s32 s1, $0x185D1  }
0x8b: {  	s4 =	sshll.u32 @!p0 s1, $0x7  }
0x8c: {  	s4 =	sand.u32 @!p0 $0xFFFFFC00, s4  }
0x8d: {  	[sflag:s22] =	ssyncset.done $0x0;
	s7 =	sshll.u32 @p0 s1, $0x4;
	s4 =	sadd.s32 @!p0 $0xFF3D3000, s4  }
0x8e: {  	[sflag:s22] =	ssyncadd.s32 $0xFFFF9C00;
	s7 =	sand.u32 @p0 $0xFFFFF80, s7;
	s4 =	sshrl.u32 @!p0 s4, $0x3  }
0x8f: {  	s1 =	sand.u32 $0x7, s1;
	s7 =	sadd.s32 @p0 s2, s7;
	s4 =	sadd.s32 @!p0 s5, s4  }
0x90: {  	[smem:$0x1] =	sst s1;
	s4 =	smov.u32 @p0 s7  }
0x91: {  	[tilespmem:s14], [sflag:$0x2] =	stream.linear.gather [hbm4b:s4+s3], $0x6800, $0x38;
	[tilespmem:$0x1A100] =	vst v63  }
0x92: {  	_ =	swait.ge [sflag:s15], $0x6800  }
0x93: {  	s0 =	sshll.u32 s0, $0x7;
	[sflag:s15] =	ssyncset.done $0x0  }
0x94: {  	s0 =	sadd.s32 $0x100, s0;
	s12 =	sadd.s32 $0x3200, s31;
	[sflag:s15] =	ssyncadd.s32 $0xFFFF9800  }
0x95: {  	[hbm4b:s12+s3] =	stream.linear.scatter [tilespmem:s0], [sflag:$0x5], $0x6400, $0x38;
	[tilespmem:$0x1A100] =	vst v63  }
0x96: {  	_ =	swait.ge [sflag:s23], $0x6400  }
0x97: {  	(v2sf) =	vpush v0, $0x6;
	_ =	sdelay $0xe  }
0x98: {  	s7 =	spop (v2sf)  }
0x99: {  	s0 =	sadd.s32 s26, s7  }
0x9a: {  	p0 =	sgt.s32 s0, $0x1869F;
	s4 =	sadd.s32 $0xFFFE7960, s0  }
0x9b: {  	s0 =	smov.u32 @p0 s4  }
0x9c: {  	p0 =	slt.s32 s0, $0x185D1  }
0x9d: {  	s4 =	sshll.u32 @!p0 s0, $0x7  }
0x9e: {  	s4 =	sand.u32 @!p0 $0xFFFFFC00, s4  }
0x9f: {  	[sflag:s23] =	ssyncset.done $0x0;
	s7 =	sshll.u32 @p0 s0, $0x4;
	s4 =	sadd.s32 @!p0 $0xFF3D3000, s4  }
0xa0: {  	[sflag:s23] =	ssyncadd.s32 $0xFFFF9C00;
	s7 =	sand.u32 @p0 $0xFFFFF80, s7;
	s4 =	sshrl.u32 @!p0 s4, $0x3  }
0xa1: {  	s0 =	sand.u32 $0x7, s0;
	s7 =	sadd.s32 @p0 s2, s7;
	s4 =	sadd.s32 @!p0 s5, s4  }
0xa2: {  	[smem:$0x2] =	sst s0;
	s4 =	smov.u32 @p0 s7  }
0xa3: {  	[tilespmem:s16], [sflag:$0x3] =	stream.linear.gather [hbm4b:s4+s3], $0x6800, $0x38;
	[tilespmem:$0x1A100] =	vst v63  }
0xa4: {  	_ =	swait.ge [sflag:s17], $0x6800  }
0xa5: {  	s1 =	sshll.u32 s1, $0x7;
	[sflag:s17] =	ssyncset.done $0x0  }
0xa6: {  	s1 =	sadd.s32 $0x6900, s1;
	s12 =	sadd.s32 $0x3E80, s31;
	[sflag:s17] =	ssyncadd.s32 $0xFFFF9800  }
0xa7: {  	[hbm4b:s12+s3] =	stream.linear.scatter [tilespmem:s1], [sflag:$0x6], $0x6400, $0x38;
	[tilespmem:$0x1A100] =	vst v63  }
0xa8: {  	_ =	swait.ge [sflag:s24], $0x6400  }
0xa9: {  	(v2sf) =	vpush v0, $0x7;
	_ =	sdelay $0xe  }
0xaa: {  	s7 =	spop (v2sf)  }
0xab: {  	s1 =	sadd.s32 s26, s7  }
0xac: {  	p0 =	sgt.s32 s1, $0x1869F;
	s4 =	sadd.s32 $0xFFFE7960, s1  }
0xad: {  	s1 =	smov.u32 @p0 s4  }
0xae: {  	p0 =	slt.s32 s1, $0x185D1  }
0xaf: {  	s4 =	sshll.u32 @!p0 s1, $0x7  }
0xb0: {  	s4 =	sand.u32 @!p0 $0xFFFFFC00, s4  }
0xb1: {  	[sflag:s24] =	ssyncset.done $0x0;
	s7 =	sshll.u32 @p0 s1, $0x4;
	s4 =	sadd.s32 @!p0 $0xFF3D3000, s4  }
0xb2: {  	[sflag:s24] =	ssyncadd.s32 $0xFFFF9C00;
	s7 =	sand.u32 @p0 $0xFFFFF80, s7;
	s4 =	sshrl.u32 @!p0 s4, $0x3  }
0xb3: {  	s1 =	sand.u32 $0x7, s1;
	s7 =	sadd.s32 @p0 s2, s7;
	s4 =	sadd.s32 @!p0 s5, s4  }
0xb4: {  	[smem:$0x3] =	sst s1;
	s4 =	smov.u32 @p0 s7  }
0xb5: {  	[tilespmem:s18], [sflag:$0x4] =	stream.linear.gather [hbm4b:s4+s3], $0x6800, $0x38;
	[tilespmem:$0x1A100] =	vst v63  }
0xb6: {  	_ =	swait.ge [sflag:s19], $0x6800  }
0xb7: {  	s0 =	sshll.u32 s0, $0x7;
	[sflag:s19] =	ssyncset.done $0x0  }
0xb8: {  	s0 =	sadd.s32 $0xD100, s0;
	s12 =	sadd.s32 $0x4B00, s31;
	[sflag:s19] =	ssyncadd.s32 $0xFFFF9800  }
0xb9: {  	[hbm4b:s12+s3] =	stream.linear.scatter [tilespmem:s0], [sflag:$0x7], $0x6400, $0x38;
	[tilespmem:$0x1A100] =	vst v63  }
0xba: {  	_ =	swait.ge [sflag:s20], $0x6400  }
0xbb: {  	(v2sf) =	vpush v0, $0x8;
	_ =	sdelay $0xe  }
0xbc: {  	s7 =	spop (v2sf)  }
0xbd: {  	s0 =	sadd.s32 s26, s7  }
0xbe: {  	p0 =	sgt.s32 s0, $0x1869F;
	s4 =	sadd.s32 $0xFFFE7960, s0  }
0xbf: {  	s0 =	smov.u32 @p0 s4  }
0xc0: {  	p0 =	slt.s32 s0, $0x185D1  }
0xc1: {  	s4 =	sshll.u32 @!p0 s0, $0x7  }
0xc2: {  	s4 =	sand.u32 @!p0 $0xFFFFFC00, s4  }
0xc3: {  	[sflag:s20] =	ssyncset.done $0x0;
	s7 =	sshll.u32 @p0 s0, $0x4;
	s4 =	sadd.s32 @!p0 $0xFF3D3000, s4  }
0xc4: {  	[sflag:s20] =	ssyncadd.s32 $0xFFFF9C00;
	s7 =	sand.u32 @p0 $0xFFFFF80, s7;
	s4 =	sshrl.u32 @!p0 s4, $0x3  }
0xc5: {  	s0 =	sand.u32 $0x7, s0;
	s7 =	sadd.s32 @p0 s2, s7;
	s4 =	sadd.s32 @!p0 s5, s4  }
0xc6: {  	[smem:$0x0] =	sst s0;
	s4 =	smov.u32 @p0 s7  }
0xc7: {  	[tilespmem:s13], [sflag:$0x1] =	stream.linear.gather [hbm4b:s4+s3], $0x6800, $0x38;
	[tilespmem:$0x1A100] =	vst v63  }
0xc8: {  	_ =	swait.ge [sflag:s21], $0x6800  }
0xc9: {  	s1 =	sshll.u32 s1, $0x7;
	[sflag:s21] =	ssyncset.done $0x0  }
0xca: {  	s1 =	sadd.s32 $0x13900, s1;
	s12 =	sadd.s32 $0x5780, s31;
	[sflag:s21] =	ssyncadd.s32 $0xFFFF9800  }
0xcb: {  	[hbm4b:s12+s3] =	stream.linear.scatter [tilespmem:s1], [sflag:$0x8], $0x6400, $0x38;
	[tilespmem:$0x1A100] =	vst v63  }
0xcc: {  	_ =	swait.ge [sflag:s22], $0x6400  }
0xcd: {  	(v2sf) =	vpush v0, $0x9;
	_ =	sdelay $0xe  }
0xce: {  	s7 =	spop (v2sf)  }
0xcf: {  	s1 =	sadd.s32 s26, s7  }
0xd0: {  	p0 =	sgt.s32 s1, $0x1869F;
	s4 =	sadd.s32 $0xFFFE7960, s1  }
0xd1: {  	s1 =	smov.u32 @p0 s4  }
0xd2: {  	p0 =	slt.s32 s1, $0x185D1  }
0xd3: {  	s4 =	sshll.u32 @!p0 s1, $0x7  }
0xd4: {  	s4 =	sand.u32 @!p0 $0xFFFFFC00, s4  }
0xd5: {  	[sflag:s22] =	ssyncset.done $0x0;
	s7 =	sshll.u32 @p0 s1, $0x4;
	s4 =	sadd.s32 @!p0 $0xFF3D3000, s4  }
0xd6: {  	[sflag:s22] =	ssyncadd.s32 $0xFFFF9C00;
	s7 =	sand.u32 @p0 $0xFFFFF80, s7;
	s4 =	sshrl.u32 @!p0 s4, $0x3  }
0xd7: {  	s1 =	sand.u32 $0x7, s1;
	s7 =	sadd.s32 @p0 s2, s7;
	s4 =	sadd.s32 @!p0 s5, s4  }
0xd8: {  	[smem:$0x1] =	sst s1;
	s4 =	smov.u32 @p0 s7  }
0xd9: {  	[tilespmem:s14], [sflag:$0x2] =	stream.linear.gather [hbm4b:s4+s3], $0x6800, $0x38;
	[tilespmem:$0x1A100] =	vst v63  }
0xda: {  	_ =	swait.ge [sflag:s15], $0x6800  }
0xdb: {  	s0 =	sshll.u32 s0, $0x7;
	[sflag:s15] =	ssyncset.done $0x0  }
0xdc: {  	s0 =	sadd.s32 $0x100, s0;
	s12 =	sadd.s32 $0x6400, s31;
	[sflag:s15] =	ssyncadd.s32 $0xFFFF9800  }
0xdd: {  	[hbm4b:s12+s3] =	stream.linear.scatter [tilespmem:s0], [sflag:$0x5], $0x6400, $0x38;
	[tilespmem:$0x1A100] =	vst v63  }
0xde: {  	_ =	swait.ge [sflag:s23], $0x6400  }
0xdf: {  	(v2sf) =	vpush v0, $0xA;
	_ =	sdelay $0xe  }
0xe0: {  	s7 =	spop (v2sf)  }
0xe1: {  	s0 =	sadd.s32 s26, s7  }
0xe2: {  	p0 =	sgt.s32 s0, $0x1869F;
	s4 =	sadd.s32 $0xFFFE7960, s0  }
0xe3: {  	s0 =	smov.u32 @p0 s4  }
0xe4: {  	p0 =	slt.s32 s0, $0x185D1  }
0xe5: {  	s4 =	sshll.u32 @!p0 s0, $0x7  }
0xe6: {  	s4 =	sand.u32 @!p0 $0xFFFFFC00, s4  }
0xe7: {  	[sflag:s23] =	ssyncset.done $0x0;
	s7 =	sshll.u32 @p0 s0, $0x4;
	s4 =	sadd.s32 @!p0 $0xFF3D3000, s4  }
0xe8: {  	[sflag:s23] =	ssyncadd.s32 $0xFFFF9C00;
	s7 =	sand.u32 @p0 $0xFFFFF80, s7;
	s4 =	sshrl.u32 @!p0 s4, $0x3  }
0xe9: {  	s0 =	sand.u32 $0x7, s0;
	s7 =	sadd.s32 @p0 s2, s7;
	s4 =	sadd.s32 @!p0 s5, s4  }
0xea: {  	[smem:$0x2] =	sst s0;
	s4 =	smov.u32 @p0 s7  }
0xeb: {  	[tilespmem:s16], [sflag:$0x3] =	stream.linear.gather [hbm4b:s4+s3], $0x6800, $0x38;
	[tilespmem:$0x1A100] =	vst v63  }
0xec: {  	_ =	swait.ge [sflag:s17], $0x6800  }
0xed: {  	s1 =	sshll.u32 s1, $0x7;
	[sflag:s17] =	ssyncset.done $0x0  }
0xee: {  	s1 =	sadd.s32 $0x6900, s1;
	s12 =	sadd.s32 $0x7080, s31;
	[sflag:s17] =	ssyncadd.s32 $0xFFFF9800  }
0xef: {  	[hbm4b:s12+s3] =	stream.linear.scatter [tilespmem:s1], [sflag:$0x6], $0x6400, $0x38;
	[tilespmem:$0x1A100] =	vst v63  }
0xf0: {  	_ =	swait.ge [sflag:s24], $0x6400  }
0xf1: {  	(v2sf) =	vpush v0, $0xB;
	_ =	sdelay $0xe  }
0xf2: {  	s7 =	spop (v2sf)  }
0xf3: {  	s1 =	sadd.s32 s26, s7  }
0xf4: {  	p0 =	sgt.s32 s1, $0x1869F;
	s4 =	sadd.s32 $0xFFFE7960, s1  }
0xf5: {  	s1 =	smov.u32 @p0 s4  }
0xf6: {  	p0 =	slt.s32 s1, $0x185D1  }
0xf7: {  	s4 =	sshll.u32 @!p0 s1, $0x7  }
0xf8: {  	s4 =	sand.u32 @!p0 $0xFFFFFC00, s4  }
0xf9: {  	[sflag:s24] =	ssyncset.done $0x0;
	s7 =	sshll.u32 @p0 s1, $0x4;
	s4 =	sadd.s32 @!p0 $0xFF3D3000, s4  }
0xfa: {  	[sflag:s24] =	ssyncadd.s32 $0xFFFF9C00;
	s7 =	sand.u32 @p0 $0xFFFFF80, s7;
	s4 =	sshrl.u32 @!p0 s4, $0x3  }
0xfb: {  	s1 =	sand.u32 $0x7, s1;
	s7 =	sadd.s32 @p0 s2, s7;
	s4 =	sadd.s32 @!p0 s5, s4  }
0xfc: {  	[smem:$0x3] =	sst s1;
	s4 =	smov.u32 @p0 s7  }
0xfd: {  	[tilespmem:s18], [sflag:$0x4] =	stream.linear.gather [hbm4b:s4+s3], $0x6800, $0x38;
	[tilespmem:$0x1A100] =	vst v63  }
0xfe: {  	_ =	swait.ge [sflag:s19], $0x6800  }
0xff: {  	s0 =	sshll.u32 s0, $0x7;
	[sflag:s19] =	ssyncset.done $0x0  }
0x100: {  	s0 =	sadd.s32 $0xD100, s0;
	s12 =	sadd.s32 $0x7D00, s31;
	[sflag:s19] =	ssyncadd.s32 $0xFFFF9800  }
0x101: {  	[hbm4b:s12+s3] =	stream.linear.scatter [tilespmem:s0], [sflag:$0x7], $0x6400, $0x38;
	[tilespmem:$0x1A100] =	vst v63  }
0x102: {  	_ =	swait.ge [sflag:s20], $0x6400  }
0x103: {  	(v2sf) =	vpush v0, $0xC;
	_ =	sdelay $0xe  }
0x104: {  	s7 =	spop (v2sf)  }
0x105: {  	s0 =	sadd.s32 s26, s7  }
0x106: {  	p0 =	sgt.s32 s0, $0x1869F;
	s4 =	sadd.s32 $0xFFFE7960, s0  }
0x107: {  	s0 =	smov.u32 @p0 s4  }
0x108: {  	p0 =	slt.s32 s0, $0x185D1  }
0x109: {  	s4 =	sshll.u32 @!p0 s0, $0x7  }
0x10a: {  	s4 =	sand.u32 @!p0 $0xFFFFFC00, s4  }
0x10b: {  	[sflag:s20] =	ssyncset.done $0x0;
	s7 =	sshll.u32 @p0 s0, $0x4;
	s4 =	sadd.s32 @!p0 $0xFF3D3000, s4  }
0x10c: {  	[sflag:s20] =	ssyncadd.s32 $0xFFFF9C00;
	s7 =	sand.u32 @p0 $0xFFFFF80, s7;
	s4 =	sshrl.u32 @!p0 s4, $0x3  }
0x10d: {  	s0 =	sand.u32 $0x7, s0;
	s7 =	sadd.s32 @p0 s2, s7;
	s4 =	sadd.s32 @!p0 s5, s4  }
0x10e: {  	[smem:$0x0] =	sst s0;
	s4 =	smov.u32 @p0 s7  }
0x10f: {  	[tilespmem:s13], [sflag:$0x1] =	stream.linear.gather [hbm4b:s4+s3], $0x6800, $0x38;
	[tilespmem:$0x1A100] =	vst v63  }
0x110: {  	_ =	swait.ge [sflag:s21], $0x6800  }
0x111: {  	s1 =	sshll.u32 s1, $0x7;
	[sflag:s21] =	ssyncset.done $0x0  }
0x112: {  	s1 =	sadd.s32 $0x13900, s1;
	s12 =	sadd.s32 $0x8980, s31;
	[sflag:s21] =	ssyncadd.s32 $0xFFFF9800  }
0x113: {  	[hbm4b:s12+s3] =	stream.linear.scatter [tilespmem:s1], [sflag:$0x8], $0x6400, $0x38;
	[tilespmem:$0x1A100] =	vst v63  }
0x114: {  	_ =	swait.ge [sflag:s22], $0x6400  }
0x115: {  	(v2sf) =	vpush v0, $0xD;
	_ =	sdelay $0xe  }
0x116: {  	s4 =	spop (v2sf)  }
0x117: {  	s1 =	sadd.s32 s26, s4  }
0x118: {  	p0 =	sgt.s32 s1, $0x1869F;
	s4 =	sadd.s32 $0xFFFE7960, s1  }
0x119: {  	s1 =	smov.u32 @p0 s4  }
0x11a: {  	p0 =	slt.s32 s1, $0x185D1  }
0x11b: {  	s4 =	sshll.u32 @!p0 s1, $0x7  }
0x11c: {  	s4 =	sand.u32 @!p0 $0xFFFFFC00, s4  }
0x11d: {  	[sflag:s22] =	ssyncset.done $0x0;
	s7 =	sshll.u32 @p0 s1, $0x4;
	s4 =	sadd.s32 @!p0 $0xFF3D3000, s4  }
0x11e: {  	[sflag:s22] =	ssyncadd.s32 $0xFFFF9C00;
	s7 =	sand.u32 @p0 $0xFFFFF80, s7;
	s4 =	sshrl.u32 @!p0 s4, $0x3  }
0x11f: {  	s1 =	sand.u32 $0x7, s1;
	s7 =	sadd.s32 @p0 s2, s7;
	s4 =	sadd.s32 @!p0 s5, s4  }
0x120: {  	[smem:$0x1] =	sst s1;
	s4 =	smov.u32 @p0 s7  }
0x121: {  	[tilespmem:s14], [sflag:$0x2] =	stream.linear.gather [hbm4b:s4+s3], $0x6800, $0x38;
	[tilespmem:$0x1A100] =	vst v63  }
0x122: {  	_ =	swait.ge [sflag:s15], $0x6800  }
0x123: {  	s0 =	sshll.u32 s0, $0x7;
	[sflag:s15] =	ssyncset.done $0x0  }
0x124: {  	s0 =	sadd.s32 $0x100, s0;
	s7 =	sadd.s32 $0x9600, s31;
	[sflag:s15] =	ssyncadd.s32 $0xFFFF9800  }
0x125: {  	[hbm4b:s7+s3] =	stream.linear.scatter [tilespmem:s0], [sflag:$0x5], $0x6400, $0x38;
	[tilespmem:$0x1A100] =	vst v63  }
0x126: {  	_ =	swait.ge [sflag:s23], $0x6400  }
0x127: {  	(v2sf) =	vpush v0, $0xE;
	_ =	sdelay $0xe  }
0x128: {  	s12 =	spop (v2sf)  }
0x129: {  	s0 =	sadd.s32 s26, s12  }
0x12a: {  	p0 =	sgt.s32 s0, $0x1869F;
	s4 =	sadd.s32 $0xFFFE7960, s0  }
0x12b: {  	s0 =	smov.u32 @p0 s4  }
0x12c: {  	p0 =	slt.s32 s0, $0x185D1  }
0x12d: {  	s4 =	sshll.u32 @!p0 s0, $0x7  }
0x12e: {  	s4 =	sand.u32 @!p0 $0xFFFFFC00, s4  }
0x12f: {  	[sflag:s23] =	ssyncset.done $0x0;
	s7 =	sshll.u32 @p0 s0, $0x4;
	s4 =	sadd.s32 @!p0 $0xFF3D3000, s4  }
0x130: {  	[sflag:s23] =	ssyncadd.s32 $0xFFFF9C00;
	s7 =	sand.u32 @p0 $0xFFFFF80, s7;
	s4 =	sshrl.u32 @!p0 s4, $0x3  }
0x131: {  	s12 =	sand.u32 $0x7, s0;
	s0 =	sadd.s32 @p0 s2, s7;
	s4 =	sadd.s32 @!p0 s5, s4  }
0x132: {  	[smem:$0x2] =	sst s12;
	s4 =	smov.u32 @p0 s0  }
0x133: {  	[tilespmem:s16], [sflag:$0x3] =	stream.linear.gather [hbm4b:s4+s3], $0x6800, $0x38;
	[tilespmem:$0x1A100] =	vst v63  }
0x134: {  	_ =	swait.ge [sflag:s17], $0x6800  }
0x135: {  	s1 =	sshll.u32 s1, $0x7;
	[sflag:s17] =	ssyncset.done $0x0  }
0x136: {  	s0 =	sadd.s32 $0x6900, s1;
	s4 =	sadd.s32 $0xA280, s31;
	[sflag:s17] =	ssyncadd.s32 $0xFFFF9800  }
0x137: {  	[hbm4b:s4+s3] =	stream.linear.scatter [tilespmem:s0], [sflag:$0x6], $0x6400, $0x38;
	[tilespmem:$0x1A100] =	vst v63  }
0x138: {  	_ =	swait.ge [sflag:s24], $0x6400  }
0x139: {  	(v2sf) =	vpush v0, $0xF;
	_ =	sdelay $0xe  }
0x13a: {  	s7 =	spop (v2sf)  }
0x13b: {  	s0 =	sadd.s32 s26, s7  }
0x13c: {  	p0 =	sgt.s32 s0, $0x1869F;
	s1 =	sadd.s32 $0xFFFE7960, s0  }
0x13d: {  	s0 =	smov.u32 @p0 s1  }
0x13e: {  	p0 =	slt.s32 s0, $0x185D1  }
0x13f: {  	s1 =	sshll.u32 @!p0 s0, $0x7  }
0x140: {  	s1 =	sand.u32 @!p0 $0xFFFFFC00, s1  }
0x141: {  	s30 =	sadd.s32 $0xC800, s30;
	s4 =	sshll.u32 @p0 s0, $0x4;
	s1 =	sadd.s32 @!p0 $0xFF3D3000, s1  }
0x142: {  	[sflag:s24] =	ssyncset.done $0x0;
	s4 =	sand.u32 @p0 $0xFFFFF80, s4;
	s1 =	sshrl.u32 @!p0 s1, $0x3  }
0x143: {  	[sflag:s24] =	ssyncadd.s32 $0xFFFF9C00;
	s4 =	sadd.s32 @p0 s2, s4;
	s1 =	sadd.s32 @!p0 s5, s1  }
0x144: {  	s0 =	sand.u32 $0x7, s0;
	s1 =	smov.u32 @p0 s4;
	p0 =	sne.s32 s30, $0x64000  }
0x145: {  	[tilespmem:s18], [sflag:$0x4] =	stream.linear.gather [hbm4b:s1+s3], $0x6800, $0x38;
	[tilespmem:$0x1A100] =	vst v63  }
.Ltmp0:
0x146: {  	[smem:$0x3] =	sst s0;
	(pc) =	sbr.rel @p0 .LBB2_2-.Ltmp0, $4  }
0x147: {  	s28 =	sadd.s32 $0x10, s28;
	_ =	swait.ge [sflag:s19], $0x6800  }
0x148: {  	s29 =	sadd.s32 $0x64000, s29;
	s12 =	sshll.u32 s12, $0x7;
	[sflag:s19] =	ssyncset.done $0x0  }
0x149: {  	s31 =	sadd.s32 $0xAF00, s31;
	s1 =	sadd.s32 $0xD100, s12;
	[sflag:s19] =	ssyncadd.s32 $0xFFFF9800  }
0x14a: {  	[hbm4b:s31+s3] =	stream.linear.scatter [tilespmem:s1], [sflag:$0x7], $0x6400, $0x38;
	[tilespmem:$0x1A100] =	vst v63  }
0x14b: {  	_ =	swait.ge [sflag:s21], $0x6800  }
0x14c: {  	s0 =	sshll.u32 s0, $0x7;
	[sflag:s21] =	ssyncset.done $0x0  }
0x14d: {  	s0 =	sadd.s32 $0x13900, s0;
	[sflag:s21] =	ssyncadd.s32 $0xFFFF9800  }
0x14e: {  	[hbm4b:s8+s3] =	stream.linear.scatter [tilespmem:s0], [sflag:$0x8], $0x6400, $0x38;
	[tilespmem:$0x1A100] =	vst v63  }
0x14f: {  	_ =	swait.ge [sflag:s20], $0x6400  }
0x150: {  	[sflag:s20] =	ssyncset.done $0x0  }
0x151: {  	[sflag:s20] =	ssyncadd.s32 $0xFFFF9C00  }
0x152: {  	_ =	swait.ge [sflag:s22], $0x6400  }
0x153: {  	[sflag:s22] =	ssyncset.done $0x0  }
0x154: {  	s25 =	sadd.s32 $0x1, s25;
	[sflag:s22] =	ssyncadd.s32 $0xFFFF9C00  }
0x155: {  	p0 =	sne.s32 s25, s9;
	_ =	swait.ge [sflag:s23], $0x6400  }
.Ltmp1:
0x156: {  	[sflag:s23] =	ssyncset.done $0x0;
	(pc) =	sbr.rel @p0 .LBB2_1-.Ltmp1, $4  }
0x157: {  	[sflag:s23] =	ssyncadd.s32 $0xFFFF9C00  }
0x158: {  	_ =	swait.ge [sflag:s24], $0x6400  }
0x159: {  	[sflag:s24] =	ssyncset.done $0x0  }
0x15a: {  	[sflag:s24] =	ssyncadd.s32 $0xFFFF9C00  }
0x15b: {  	_ =	sfence.sel $0x180000  }
0x15c: {  	[bflag:$0x0] =	sbarrier.arrive $0xFFFF  }
0x15d: {  	_ =	strace $0x90000047  }
0x15e: {  	s0 =	stileid.u32;
	[bflag:$0x2] =	sbarrier.arrive $0xFFFF  }
0x15f: {  	p0 =	sne.s32 s0, $0x0;
	s0 =	rddreg [dreg:$0x3]  }
0x160: {  	s0 =	sadd.s32 @!p0 $0x100000, s0  }
0x161: {  	[sflag:s0] =	ssyncadd.tile.s32 @!p0 $0x1;
	_ =	shalt  }
.Lfunc_end2:
_tile_overlayer_lowered:
.L_overlay_start_2:
0x162: {  	(tag) =	ssettag $0x2  }
0x163: {  	s0 =	rddreg [dreg:$0x0];
	s2 =	stileid.u32  }
0x164: {  	s1 =	rddreg [dreg:$0x1];
	p0 =	sne.s32 s2, $0x0  }
0x165: {  	s3 =	rddreg [dreg:$0x2];
	[bflag:$0x3] =	sbarrier.arrive $0xFFFF;
	s2 =	simm.s32 @!p0 $0x1C09  }
0x166: {  	[timem:s3], [sflag:s2] =	dma.local @!p0 [hbm:s0], s1  }
0x167: {  	s0 =	simm.s32 @!p0 $0x9  }
0x168: {  	_ =	swait.ge @!p0 [sflag:s0], s1  }
0x169: {  	s1 =	ssub.s32 @!p0 $0x0, s1;
	[sflag:s0] =	ssyncset.done @!p0 $0x0  }
0x16a: {  	[sflag:s0] =	ssyncadd.s32 @!p0 s1  }
0x16b: {  	[bflag:$0x3] =	sbarrier.arrive $0xFFFF  }
0x16c: {  	_ =	shalt  }

// kernel: sparse-core-data-format-call.cloned.1.call-start
scs
called_computation_lowered:
.L_overlay_start_0:
0x0: {  	s2 =	sld [smem:$0x3FD9]  }
0x1: {  	s3 =	sld [smem:$0x3FFE];
	_ =	sdelay $0x1  }
0x2: {  	s1 =	srdreg.scid  }
0x3: {  	s0 =	sand.u32 $0x1, s1  }
0x4: {  	s18 =	sshll.u32 s0, $0xA;
	s2 =	sadd.s32 s3, s2  }
0x5: {  	s2 =	sadd.s32 s2, s18  }
0x6: {  	[smem:$0x3FC5] =	sst s2  }
0x7: {  	_ = 	snop  }
0x8: {  	s2 =	sld [smem:$0x3FD0];
	(tm) =	ssettm $0x1  }
0x9: {  	s19 =	sld [smem:$0x3FFB];
	_ =	sdelay $0x3  }
0xa: {  	_ =	strace s19  }
0xb: {  	s3 =	sld [smem:$0x3FFC];
	_ =	sdelay $0x3  }
0xc: {  	_ =	strace s3  }
0xd: {  	s3 =	sld [smem:$0x3FFD];
	_ =	sdelay $0x3  }
0xe: {  	_ =	strace s3  }
0xf: {  	_ =	strace $0x8FFFFFFF  }
0x10: {  	s20 =	sld [smem:$0x3FDB];
	_ =	sdelay $0x1  }
0x11: {  	s4 =	simm.s32 $_scs_section_size  }
0x12: {  	s5 =	simm.s32 $_size__tile_overlayer_lowered;
	s6 =	simm.s32 $_tile_overlayer_lowered  }
0x13: {  	s23 =	simm.s32 $0x1BFF;
	s22 =	sshll.u32 s6, $0x1;
	s3 =	sadd.s32 s4, s20  }
0x14: {  	s7 =	simm.s32 $0x0;
	s21 =	sshll.u32 s5, $0x1;
	s5 =	sadd.s32 s22, s3  }
0x15: {  	[timem:s7], [sflag:s23] =	dma.local [hbm:s5], s21  }
0x16: {  	_ =	swait.ge [sflag:s23], s21  }
0x17: {  	s4 =	ssub.s32 $0x0, s21;
	[sflag:s23] =	ssyncset.done $0x0  }
0x18: {  	[sflag:s23] =	ssyncadd.s32 s4;
	_ =	sdelay $0x1  }
0x19: {  	s24 =	simm.s32 $0x1B8B  }
0x1a: {  	_ =	swait.ge [sflag:s24], $0x1  }
0x1b: {  	[sflag:s24] =	ssyncset.done $0x0  }
0x1c: {  	s26 =	simm.s32 $0x1B8E;
	s25 =	sld [smem:$0x3FFE];
	[sflag:s24] =	ssyncadd.s32 $0xFFFFFFFF  }
0x1d: {  	s27 =	simm.s32 $execute0_lowered;
	[smem:$0x3FD2] =	sst s26  }
0x1e: {  	s5 =	sshll.u32 s27, $0x1;
	_ =	strace $0x80000049;
	[dreg:$0x1] =	wrdreg $0xFFFFFFFF  }
0x1f: {  	s28 =	simm.s32 $_size_execute0_lowered;
	s3 =	sadd.s32 s3, s5;
	[dreg:$0x0] =	wrdreg $0x0  }
0x20: {  	s5 =	sshll.u32 s28, $0x1;
	[dreg:$0x2] =	wrdreg s3  }
0x21: {  	[dreg:$0x3] =	wrdreg s5  }
0x22: {  	[dreg:$0x4] =	wrdreg $0xC0  }
0x23: {  	_ =	task [dreg:s7], $0x5FFFF  }
0x24: {  	[dreg:$0x1] =	wrdreg $0xFFFFFFFF  }
0x25: {  	[dreg:$0x0] =	wrdreg $0x60  }
0x26: {  	[dreg:$0x2] =	wrdreg s25  }
0x27: {  	[dreg:$0x3] =	wrdreg s2  }
0x28: {  	[dreg:$0x4] =	wrdreg $0x9  }
0x29: {  	_ =	task.clear_ibuf [dreg:s7], $0x5FFFF;
	_ =	strace $0x90000049  }
0x2a: {  	s29 =	simm.s32 $0x9;
	_ =	strace $0x8000004B  }
0x2b: {  	_ =	swait.ge [sflag:s29], $0x1  }
0x2c: {  	[sflag:s29] =	ssyncadd.s32 $0xFFFFFFFF  }
0x2d: {  	_ =	strace $0x9000004B  }
0x2e: {  	_ =	sfence  }
0x2f: {  	s30 =	sld [smem:$0x0];
	_ =	sdelay $0x2  }
0x30: {  	s31 =	sshll.u32 s1, $0xD;
	s1 =	sshrl.u32 s1, $0x2  }
0x31: {  	s3 =	sand.u32 $0x4000, s31;
	s1 =	sadd.s32 s1, s30  }
0x32: {  	s0 =	sor.u32 s3, s0;
	s1 =	sshll.u32 s1, $0x11  }
0x33: {  	s0 =	sor.u32 s1, s0  }
0x34: {  	s0 =	sadd.s32 $0x8F2B, s0  }
0x35: {  	[sflag:s0] =	ssyncadd.remote.s32 $0x1  }
0x36: {  	_ =	sfence.sel $0xFFFF  }
0x37: {  	[dreg:$0x0] =	wrdreg $0xFFFFFFFF;
	(pc) =	sbr.abs _section_cstart, $3  }
0x38: {  	[dreg:$0x1] =	wrdreg $0xFFFFFFFF  }
0x39: {  	_ =	task.clear_ibuf [dreg:s7], $0x2FFFF;
	_ =	strace $0x9FFFFFFF  }
0x3a: {  	(tm) =	ssettm $0x7FFFFFFF  }
0x3b: {  	_ =	shalt  }
tec
execute0_lowered:
.L_overlay_start_1:
0x0: {  	(tag) =	ssettag $0x1  }
0x1: {  	s0 =	srdreg.scid  }
0x2: {  	s1 =	sshll.u32 s0, $0x4  }
0x3: {  	s0 =	stileid.u32;
	s1 =	sand.u32 $0x10, s1  }
0x4: {  	s1 =	sor.u32 s0, s1  }
0x5: {  	s6 =	rddreg [dreg:$0x0];
	s4 =	simm.s32 $0x1;
	s2 =	sshll.u32 s1, $0x7  }
0x6: {  	s7 =	simm.s32 $0x2;
	s12 =	simm.s32 $0x0;
	s1 =	ssub.s32 $0x1000, s2  }
0x7: {  	s8 =	simm.s32 $0x8000;
	s13 =	simm.s32 $0x0;
	s3 =	sand.u32 $0xF80, s1  }
0x8: {  	s9 =	simm.s32 $0x0;
	s5 =	sshrl.u32 s1, $0xC;
	p0 =	sne.s32 s3, $0x0  }
.Ltmp0:
0x9: {  	s1 =	rddreg [dreg:$0x2];
	s4 =	simm.s32 @!p0 $0x0;
	(pc) =	sbr.rel .LBB1_1-.Ltmp0, $4  }
0xa: {  	s11 =	simm.s32 $0x0;
	s3 =	rddreg [dreg:$0x1];
	s5 =	sadd.s32 s4, s5  }
0xb: {  	_ =	strace $0x8000004A;
	s4 =	simm.s32 $0x1;
	s5 =	smul.u32 $0xC8, s5  }
0xc: {  	s6 =	sadd.s32 $0x2C00, s6;
	s10 =	smov.u32 s2;
	[sflag:s4] =	ssyncpa.u1 $0x0  }
0xd: {  	p0 =	por $0x0, $0x0;
	[sflag:s7] =	ssyncpa.u1 $0x0;
	s7 =	sor.u32 $0x1, s5  }
.LBB1_4:
0xe: {  	s16 =	sshll.u32 s13, $0x3;
	s17 =	sand.u32 $0x78, s13  }
0xf: {  	s30 =	sand.u32 $0x7E00, s13;
	s12 =	sshll.u32 s12, $0xF;
	s16 =	sand.u32 $0xC00, s16  }
0x10: {  	[tilespmem:s15+$0x810 ss:$0x81] =	vst.msk $0xffff, v2;
	s31 =	sand.u32 $0x7, s13;
	s16 =	sor.u32 s17, s16;
	s17 =	sadd.s32 s3, s30  }
0x11: {  	[tilespmem:s15+$0x1020 ss:$0x81] =	vst.msk $0xffff, v0;
	s13 =	sshll.u32 s31, $0x12;
	s12 =	sadd.s32 s12, s17;
	s16 =	sshrl.u32 s16, $0x3  }
0x12: {  	[tilespmem:s15+$0x0 ss:$0x81] =	vst.msk $0xffff, v1;
	s13 =	sor.u32 $0x400, s13;
	s12 =	sadd.s32 s16, s12  }
0x13: {  	[hbm4b:s12+s13] =	stream.strided.scatter [tilespmem:s14], [sflag:$0x2], $0x2000, s8, s13, $0x20;
	[tilespmem:$0x8080] =	vst v63  }
.LBB1_5:
0x14: {  	s14 =	sadd.s32 $0x1, s9  }
0x15: {  	s12 =	sadd.s32 $0x1000, s10;
	s16 =	smov.u32 s10;
	p2 =	sgt.s32 s14, $0xC7  }
0x16: {  	s16 =	smov.u32 @p2 s12  }
0x17: {  	s14 =	simm.s32 @p2 $0x0;
	p2 =	sgt.s32 s16, $0xFFF  }
0x18: {  	s16 =	smov.u32 @p2 s2;
	p2 =	sne.s32 s11, s7  }
.Ltmp1:
0x19: {  	p1 =	slt.u32 s11, $0x2;
	(pc) =	sbr.rel @!p2 .LBB1_6-.Ltmp1, $4  }
0x1a: {  	s15 =	simm.s32 @!p1 $0x2  }
0x1b: {  	s13 =	smov.u32 s10;
	p0 =	por !p0, !p0;
	_ =	swait.ge @!p1 [sflag:s15], $0x2000  }
0x1c: {  	s12 =	smov.u32 s9;
	[sflag:s15] =	ssyncset.done @!p1 $0x0;
	s9 =	smov.u32 s14  }
0x1d: {  	s11 =	sadd.s32 $0x1, s11;
	[sflag:s15] =	ssyncadd.s32 @!p1 $0xFFFFE000;
	s10 =	smov.u32 s16  }
.LBB1_1:
0x1e: {  	p1 =	sge.u32 s11, s5  }
0x1f: {  	s14 =	sand.u32 @!p1 $0x1FFFFFF, s9  }
0x20: {  	s15 =	smulhi.u32 @!p1 $0x147AE15, s14;
	_ =	sdelay $0x1  }
0x21: {  	s15 =	smul.u32 @!p1 $0xC8, s15  }
0x22: {  	s16 =	sxor.u32 @!p1 $0xFFFFFFFF, s11;
	s17 =	smul.u32 @!p1 $0xC80, s10  }
0x23: {  	s31 =	sadd.s32 $0xFFFFFFFF, s11;
	s16 =	sshll.u32 @!p1 s16, $0xD;
	s14 =	ssub.s32 @!p1 s14, s15  }
0x24: {  	s15 =	sand.u32 @!p1 $0x2000, s16;
	s16 =	sadd.s32 @!p1 s6, s17;
	s14 =	sshll.u32 @!p1 s14, $0x4  }
0x25: {  	s17 =	simm.s32 @!p1 $0x6400;
	s14 =	sadd.s32 @!p1 s14, s16;
	s16 =	simm.s32 @!p1 $0x40  }
0x26: {  	[tilespmem:s15], [sflag:$0x1] =	stream.strided.gather @!p1 [hbm4b:s14+s16], $0x2000, s17, s16, $0x38;
	[tilespmem:$0x8080] =	vst v63  }
0x27: {  	p1 =	sge.u32 s31, s5  }
.Ltmp2:
0x28: {  	_ = 	snop;
	(pc) =	sbr.rel @p1 .LBB1_5-.Ltmp2, $1  }
0x29: {  	_ =	sdelay $0x3  }
0x2a: {  	s14 =	simm.s32 $0x1  }
0x2b: {  	_ =	swait.ge [sflag:s4], $0x2000;
	s14 =	simm.s32 @!p0 $0x0  }
0x2c: {  	[sflag:s4] =	ssyncset.done $0x0;
	s15 =	sshll.u32 s14, $0xD  }
0x2d: {  	[sflag:s4] =	ssyncadd.s32 $0xFFFFE000;
	s18 =	sor.u32 $0x20, s15  }
0x2e: {  	s14 =	smul.u32 $0x8100, s14;
	v3 =	vld [tilespmem:s18+$0x10]  }
0x2f: {  	s30 =	sand.u32 $0x1, s11;
	v2 =	vld [tilespmem:s18+$0xFFFFFFF0]  }
0x30: {  	s15 =	smul.u32 $0x8100, s30;
	s14 =	sshrl.u32 s14, $0x2;
	v0 =	vld [tilespmem:s18+$0x0]  }
0x31: {  	v1 =	vld [tilespmem:s18+$0xFFFFFFE0];
	s16 =	sor.u32 $0x4000, s14  }
0x32: {  	s31 =	sshrl.u32 s15, $0x2;
	s15 =	sadd.s32 $0x0, s16  }
0x33: {  	s17 =	simm.s32 $0x4;
	s18 =	sadd.s32 $0x40, s18;
	s14 =	sor.u32 $0x4000, s31;
	[tilespmem:s15+$0x1830 ss:$0x81] =	vst.msk $0xffff, v3  }
.LBB1_3:
0x34: {  	v3 =	vld [tilespmem:s18+$0x10];
	p1 =	sne.s32 s17, $0x1FC;
	[tilespmem:s15+$0x810 ss:$0x81] =	vst.msk $0xffff, v2;
	s19 =	smov.u32 s17;
	s17 =	sadd.s32 $0x4, s17  }
.Ltmp3:
0x35: {  	v2 =	vld [tilespmem:s18+$0xFFFFFFF0];
	[tilespmem:s15+$0x1020 ss:$0x81] =	vst.msk $0xffff, v0;
	(pc) =	sbr.rel @p1 .LBB1_3-.Ltmp3, $4  }
0x36: {  	v0 =	vld [tilespmem:s18+$0x0];
	[tilespmem:s15+$0x0 ss:$0x81] =	vst.msk $0xffff, v1  }
0x37: {  	s15 =	sshra.s32 s19, $0x2;
	v1 =	vld [tilespmem:s18+$0xFFFFFFE0]  }
0x38: {  	s15 =	sadd.s32 s15, s16  }
0x39: {  	s18 =	sadd.s32 $0x40, s18;
	[tilespmem:s15+$0x1830 ss:$0x81] =	vst.msk $0xffff, v3  }
.Ltmp4:
0x3a: {  	_ = 	snop;
	(pc) =	sbr.rel .LBB1_4-.Ltmp4, $1  }
0x3b: {  	_ =	sdelay $0x3  }
.LBB1_6:
0x3c: {  	_ =	sfence.sel $0x180000  }
0x3d: {  	s2 =	simm.s32 $0x1;
	[bflag:$0x0] =	sbarrier.arrive $0xFFFF  }
0x3e: {  	s31 =	simm.s32 $0x2;
	[sflag:s2] =	ssyncpa.u1 $0x1  }
0x3f: {  	[sflag:s31] =	ssyncpa.u1 $0x1  }
0x40: {  	p0 =	sne.s32 s0, $0x0;
	_ =	strace $0x9000004A  }
0x41: {  	s0 =	sadd.s32 @!p0 $0x100000, s1;
	[bflag:$0x2] =	sbarrier.arrive $0xFFFF  }
0x42: {  	[sflag:s0] =	ssyncadd.tile.s32 @!p0 $0x1;
	_ =	shalt  }
.Lfunc_end1:
_tile_overlayer_lowered:
.L_overlay_start_2:
0x43: {  	(tag) =	ssettag $0x2  }
0x44: {  	s0 =	rddreg [dreg:$0x0];
	s2 =	stileid.u32  }
0x45: {  	s1 =	rddreg [dreg:$0x1];
	p0 =	sne.s32 s2, $0x0  }
0x46: {  	s3 =	rddreg [dreg:$0x2];
	[bflag:$0x3] =	sbarrier.arrive $0xFFFF;
	s2 =	simm.s32 @!p0 $0x1C01  }
0x47: {  	[timem:s3], [sflag:s2] =	dma.local @!p0 [hbm:s0], s1  }
0x48: {  	s0 =	simm.s32 @!p0 $0x1  }
0x49: {  	_ =	swait.ge @!p0 [sflag:s0], s1  }
0x4a: {  	s1 =	ssub.s32 @!p0 $0x0, s1;
	[sflag:s0] =	ssyncset.done @!p0 $0x0  }
0x4b: {  	[sflag:s0] =	ssyncadd.s32 @!p0 s1  }
0x4c: {  	[bflag:$0x3] =	sbarrier.arrive $0xFFFF  }
0x4d: {  	_ =	shalt  }

</sc_bundles>
